<compile_context>
chip_gen: v7x
topology: tpu7x:2x2x1
jax: 0.10.2.dev20260603
libtpu: 0.0.44.dev20260713+nightly
codegen_flags: <defaults>
</compile_context>

<pallas_src>
import functools

import jax
import jax.numpy as jnp
from jax import lax
from jax.experimental import pallas as pl
from jax.experimental.pallas import tpu as pltpu
from jax.experimental.pallas import tpu_sc as plsc

N = 10000
E = 320000
D = 128
K = 50
BN_EPS = 1e-5

NC = 2
NS = 16
NW = NC * NS
CH = 128
EPW = 10240
E_PAD = EPW * NW
N_PAD = 10112
ROWS_PER_TILE = N_PAD // NS

BLK = 1000


_sc_mesh = plsc.VectorSubcoreMesh(core_axis_name="c", subcore_axis_name="s")


@functools.partial(
    pl.kernel,
    out_type=jax.ShapeDtypeStruct((NC, N_PAD, D), jnp.float32),
    mesh=_sc_mesh,
    scratch_types=[
        pltpu.VMEM((CH,), jnp.int32),
        pltpu.VMEM((CH,), jnp.int32),
        pltpu.VMEM((CH, D), jnp.float32),
        pltpu.VMEM_SHARED((N_PAD, D), jnp.float32),
        pltpu.SemaphoreType.DMA,
    ],
)
def _seg_sum_sc(xw_hbm, src_hbm, dst_hbm, zeros_hbm, out_hbm,
                src_v, dst_v, rows_v, acc_sh, sem):
    cid = lax.axis_index("c")
    sid = lax.axis_index("s")
    wid = sid * NC + cid
    r0 = sid * ROWS_PER_TILE
    pltpu.sync_copy(zeros_hbm.at[pl.ds(r0, ROWS_PER_TILE)],
                    acc_sh.at[pl.ds(r0, ROWS_PER_TILE)])
    plsc.subcore_barrier()

    base = wid * EPW

    def body(i, carry):
        off = pl.multiple_of(base + i * CH, CH)
        pltpu.sync_copy(src_hbm.at[pl.ds(off, CH)], src_v)
        pltpu.sync_copy(dst_hbm.at[pl.ds(off, CH)], dst_v)
        pltpu.async_copy(xw_hbm.at[src_v], rows_v, sem).wait()
        pltpu.sync_copy(rows_v, acc_sh.at[dst_v], add=True)
        return carry

    lax.fori_loop(0, EPW // CH, body, 0)
    plsc.subcore_barrier()
    pltpu.sync_copy(acc_sh.at[pl.ds(r0, ROWS_PER_TILE)],
                    out_hbm.at[cid, pl.ds(r0, ROWS_PER_TILE)])


def _pre_body(h_ref, cw_ref, aw_ref, ab_ref,
              xw_ref, tmp_ref, vtz_ref, vsum_ref, usum_ref):
    pid = pl.program_id(0)
    h = h_ref[...]
    xw_ref[...] = jnp.dot(h, cw_ref[...], preferred_element_type=jnp.float32)
    tmp = jnp.maximum(
        jnp.dot(h, aw_ref[...], preferred_element_type=jnp.float32)
        + ab_ref[...], 0.0)
    tmp_ref[...] = tmp
    u = tmp[:, :K]
    v = tmp[:, K:2 * K]
    z = tmp[:, 2 * K:3 * K]
    vtz = lax.dot_general(v, z, (((0,), (0,)), ((), ())),
                          preferred_element_type=jnp.float32)
    vsum = jnp.sum(v, axis=0, keepdims=True)
    usum = jnp.sum(u, axis=0, keepdims=True)

    @pl.when(pid == 0)
    def _():
        vtz_ref[...] = vtz
        vsum_ref[...] = vsum
        usum_ref[...] = usum

    @pl.when(pid != 0)
    def _():
        vtz_ref[...] += vtz
        vsum_ref[...] += vsum
        usum_ref[...] += usum


def _pre_call(h, cw, aw, ab):
    grid = N // BLK
    return pl.pallas_call(
        _pre_body,
        grid=(grid,),
        in_specs=[
            pl.BlockSpec((BLK, D), lambda i: (i, 0)),
            pl.BlockSpec((D, D), lambda i: (0, 0)),
            pl.BlockSpec((D, 4 * K), lambda i: (0, 0)),
            pl.BlockSpec((1, 4 * K), lambda i: (0, 0)),
        ],
        out_specs=[
            pl.BlockSpec((BLK, D), lambda i: (i, 0)),
            pl.BlockSpec((BLK, 4 * K), lambda i: (i, 0)),
            pl.BlockSpec((K, K), lambda i: (0, 0)),
            pl.BlockSpec((1, K), lambda i: (0, 0)),
            pl.BlockSpec((1, K), lambda i: (0, 0)),
        ],
        out_shape=[
            jax.ShapeDtypeStruct((N, D), jnp.float32),
            jax.ShapeDtypeStruct((N, 4 * K), jnp.float32),
            jax.ShapeDtypeStruct((K, K), jnp.float32),
            jax.ShapeDtypeStruct((1, K), jnp.float32),
            jax.ShapeDtypeStruct((1, K), jnp.float32),
        ],
    )(h, cw, aw, ab)


def _post_body(tmp_ref, agg_ref, h_ref, cb_ref, vtz_ref, vsum_ref, usum_ref,
               w1_ref, w2_ref, w3_ref, w4_ref, b_ref, g_ref, beta_ref,
               out_ref, *, nrelu, bn):
    tmp = tmp_ref[...]
    u = tmp[:, :K]
    t = tmp[:, 3 * K:]
    agg = agg_ref[0] + agg_ref[1]
    x_local = jnp.maximum(agg + cb_ref[...], 0.0)
    res = jnp.dot(u, vtz_ref[...], preferred_element_type=jnp.float32)
    d = 1.0 / (jnp.sum(vsum_ref[...] * usum_ref[...]) / N + 1e-6)
    acc = (jnp.dot(res * d, w1_ref[...], preferred_element_type=jnp.float32)
           + jnp.dot(t, w2_ref[...], preferred_element_type=jnp.float32)
           + jnp.dot(x_local, w3_ref[...], preferred_element_type=jnp.float32)
           + jnp.dot(h_ref[...], w4_ref[...],
                     preferred_element_type=jnp.float32)
           + b_ref[...])
    for _ in range(nrelu):
        acc = jnp.maximum(acc, 0.0)
    if bn:
        acc = acc * g_ref[...] + beta_ref[...]
    out_ref[...] = acc


def _post_call(tmp, agg2, h, cb, vtz, vsum, usum, w1, w2, w3, w4, b,
               g_scaled, beta, nrelu, bn):
    grid = N // BLK
    body = functools.partial(_post_body, nrelu=nrelu, bn=bn)
    return pl.pallas_call(
        body,
        grid=(grid,),
        in_specs=[
            pl.BlockSpec((BLK, 4 * K), lambda i: (i, 0)),
            pl.BlockSpec((NC, BLK, D), lambda i: (0, i, 0)),
            pl.BlockSpec((BLK, D), lambda i: (i, 0)),
            pl.BlockSpec((1, D), lambda i: (0, 0)),
            pl.BlockSpec((K, K), lambda i: (0, 0)),
            pl.BlockSpec((1, K), lambda i: (0, 0)),
            pl.BlockSpec((1, K), lambda i: (0, 0)),
            pl.BlockSpec((K, D), lambda i: (0, 0)),
            pl.BlockSpec((K, D), lambda i: (0, 0)),
            pl.BlockSpec((D, D), lambda i: (0, 0)),
            pl.BlockSpec((D, D), lambda i: (0, 0)),
            pl.BlockSpec((1, D), lambda i: (0, 0)),
            pl.BlockSpec((1, D), lambda i: (0, 0)),
            pl.BlockSpec((1, D), lambda i: (0, 0)),
        ],
        out_specs=pl.BlockSpec((BLK, D), lambda i: (i, 0)),
        out_shape=jax.ShapeDtypeStruct((N, D), jnp.float32),
    )(tmp, agg2, h, cb, vtz, vsum, usum, w1, w2, w3, w4, b, g_scaled, beta)


def _layer(h, src_p, dst_p, zeros, conv_w, conv_b, att_w, att_b,
           dr_w, dr_b, g_scaled, beta, nrelu, bn):
    xw, tmp, vtz, vsum, usum = _pre_call(h, conv_w, att_w, att_b)
    agg2 = _seg_sum_sc(xw, src_p, dst_p, zeros)
    w1 = dr_w[:K]
    w2 = dr_w[K:2 * K]
    w3 = dr_w[2 * K:2 * K + D]
    w4 = dr_w[2 * K + D:]
    return _post_call(tmp, agg2, h, conv_b, vtz, vsum, usum,
                      w1, w2, w3, w4, dr_b, g_scaled, beta, nrelu, bn)


def kernel(x, edge_index, conv0_w, conv0_b, conv1_w, conv1_b, conv2_w,
           conv2_b, att0_w, att0_b, att1_w, att1_b, att2_w, att2_b,
           dr0_w, dr0_b, dr1_w, dr1_b, dr2_w, dr2_b,
           bn0_g, bn0_b, bn1_g, bn1_b):
    src = edge_index[0]
    dst = edge_index[1]
    pad = E_PAD - E
    src_p = jnp.concatenate([src, jnp.zeros((pad,), jnp.int32)])
    dst_p = jnp.concatenate([dst, jnp.full((pad,), N, jnp.int32)])
    zeros = jnp.zeros((N_PAD, D), jnp.float32)

    inv = 1.0 / jnp.sqrt(1.0 + BN_EPS)
    g0 = (bn0_g * inv).reshape(1, D)
    g1 = (bn1_g * inv).reshape(1, D)
    one = jnp.ones((1, D), jnp.float32)
    zero = jnp.zeros((1, D), jnp.float32)

    h = _layer(x, src_p, dst_p, zeros, conv0_w, conv0_b.reshape(1, D),
               att0_w, att0_b.reshape(1, 4 * K), dr0_w,
               dr0_b.reshape(1, D), g0, bn0_b.reshape(1, D), 2, True)
    h = _layer(h, src_p, dst_p, zeros, conv1_w, conv1_b.reshape(1, D),
               att1_w, att1_b.reshape(1, 4 * K), dr1_w,
               dr1_b.reshape(1, D), g1, bn1_b.reshape(1, D), 1, True)
    out = _layer(h, src_p, dst_p, zeros, conv2_w, conv2_b.reshape(1, D),
                 att2_w, att2_b.reshape(1, 4 * K), dr2_w,
                 dr2_b.reshape(1, D), one, zero, 0, False)
    return out

# --- scband reference (transcript-rebuilt; emitter-appended) ---
"""Pipeline reference for scband-gcnwith-attention-44203803410720 (READ-ONLY COPY).

The authoritative reference and input builder live on the scoring server;
editing this copy changes nothing except your own understanding.
"""

import jax, jax.numpy as jnp
import numpy as np

N = 10000
E = 320000
DIN = 128
DH = 128
DOUT = 128
K = 50
BN_EPS = 1e-5

def _lin_init(key, fan_in, fan_out):
    bound = 1.0 / np.sqrt(fan_in)
    kw, kb = jax.random.split(key)
    w = jax.random.uniform(kw, (fan_in, fan_out), jnp.float32, -bound, bound)
    b = jax.random.uniform(kb, (fan_out,), jnp.float32, -bound, bound)
    return w, b

def setup_inputs(seed: int = 0):
    key = jax.random.key(seed)
    ks = jax.random.split(key, 16)
    inp = {}
    inp["x"] = jax.random.normal(ks[0], (N, DIN), dtype=jnp.float32)
    inp["edge_index"] = jax.random.randint(ks[1], (2, E), 0, N, dtype=jnp.int32)
    inp["conv0_w"], inp["conv0_b"] = _lin_init(ks[2], DIN, DH)
    inp["conv1_w"], inp["conv1_b"] = _lin_init(ks[3], DH, DH)
    inp["conv2_w"], inp["conv2_b"] = _lin_init(ks[4], DH, DH)
    inp["att0_w"], inp["att0_b"] = _lin_init(ks[5], DIN, 4 * K)
    inp["att1_w"], inp["att1_b"] = _lin_init(ks[6], DH, 4 * K)
    inp["att2_w"], inp["att2_b"] = _lin_init(ks[7], DH, 4 * K)
    inp["dr0_w"], inp["dr0_b"] = _lin_init(ks[8], 2 * K + DH + DIN, DH)
    inp["dr1_w"], inp["dr1_b"] = _lin_init(ks[9], 2 * (K + DH), DH)
    inp["dr2_w"], inp["dr2_b"] = _lin_init(ks[10], 2 * (K + DH), DOUT)
    inp["bn0_g"] = jnp.ones((DH,), jnp.float32)
    inp["bn0_b"] = jnp.zeros((DH,), jnp.float32)
    inp["bn1_g"] = jnp.ones((DH,), jnp.float32)
    inp["bn1_b"] = jnp.zeros((DH,), jnp.float32)
    return inp

def _gcn_conv(x, w, b, src, dst):
    # PyG GCNConv with normalize=False: out = scatter_add(lin(x)[src] -> dst) + bias
    xw = x @ w
    agg = jax.ops.segment_sum(xw[src], dst, num_segments=N)
    return agg + b

def _lowrank_attention(x, w, b):
    tmp = jax.nn.relu(x @ w + b)
    U = tmp[:, :K]
    V = tmp[:, K:2 * K]
    Z = tmp[:, 2 * K:3 * K]
    T = tmp[:, 3 * K:]
    VT = V.T
    ones = jnp.ones((x.shape[0], 1), x.dtype)
    norm_factor = U @ (VT @ ones)
    D = 1.0 / (jnp.sum(norm_factor) / x.shape[0] + 1e-6)
    res = U @ (VT @ Z)
    return jnp.concatenate([res * D, T], axis=1)

def _bn_eval(x, g, b):
    # eval-mode BatchNorm1d with fresh running stats (mean=0, var=1)
    return x * (g / jnp.sqrt(1.0 + BN_EPS)) + b

def reference(x, edge_index, conv0_w, conv0_b, conv1_w, conv1_b, conv2_w, conv2_b,
              att0_w, att0_b, att1_w, att1_b, att2_w, att2_b,
              dr0_w, dr0_b, dr1_w, dr1_b, dr2_w, dr2_b,
              bn0_g, bn0_b, bn1_g, bn1_b):
    src = edge_index[0]
    dst = edge_index[1]
    # layer 0 (dimension_reduce[0] contains Linear+ReLU, then forward relu + bn)
    x_local = jax.nn.relu(_gcn_conv(x, conv0_w, conv0_b, src, dst))
    x_global = _lowrank_attention(x, att0_w, att0_b)
    h = jnp.concatenate([x_global, x_local, x], axis=1) @ dr0_w + dr0_b
    h = jax.nn.relu(h)
    h = jax.nn.relu(h)
    h = _bn_eval(h, bn0_g, bn0_b)
    # layer 1 (dimension_reduce[1] is Linear only; forward relu + bn)
    x_local = jax.nn.relu(_gcn_conv(h, conv1_w, conv1_b, src, dst))
    x_global = _lowrank_attention(h, att1_w, att1_b)
    h = jnp.concatenate([x_global, x_local, h], axis=1) @ dr1_w + dr1_b
    h = jax.nn.relu(h)
    h = _bn_eval(h, bn1_g, bn1_b)
    # last layer: no relu / bn after dimension_reduce[-1]
    x_local = jax.nn.relu(_gcn_conv(h, conv2_w, conv2_b, src, dst))
    x_global = _lowrank_attention(h, att2_w, att2_b)
    out = jnp.concatenate([x_global, x_local, h], axis=1) @ dr2_w + dr2_b
    return out

if __name__ == "__main__":
    import jax
    _d = setup_inputs()
    print(jax.jit(kernel)(*tuple(_d.values())))

</pallas_src>

<mosaic_0001>
#map = affine_map<(d0, d1) -> (0, 0)>
#map1 = affine_map<(d0, d1) -> (0)>
#map2 = affine_map<(d0, d1) -> (0, 0, 0)>
module attributes {stable_mosaic.version = 14 : i64} {
  func.func @_seg_sum_sc(%arg0: i32, %arg1: i32, %arg2: memref<10000x128xf32, #tpu.memory_space<hbm>>, %arg3: memref<327680xi32, #tpu.memory_space<hbm>>, %arg4: memref<327680xi32, #tpu.memory_space<hbm>>, %arg5: memref<10112x128xf32, #tpu.memory_space<hbm>>, %arg6: memref<2x10112x128xf32, #tpu.memory_space<hbm>>, %arg7: memref<128xi32, #tpu.memory_space<vmem>>, %arg8: memref<128xi32, #tpu.memory_space<vmem>>, %arg9: memref<128x128xf32, #tpu.memory_space<vmem>>, %arg10: memref<10112x128xf32, #tpu.memory_space<vmem_shared>>, %arg11: memref<!tpu.dma_semaphore, #tpu.memory_space<semaphore_mem>>) attributes {dimension_semantics = [#tpu.dimension_semantics<core_parallel>, #tpu.dimension_semantics<subcore_parallel>], iteration_bounds = array<i64: 2, 16>, scalar_prefetch = 0 : i64, scratch_operands = 5 : i64, tpu.core_type = #tpu.core_type<sc_vector_subcore>, window_params = [{transform_indices = #map}, {transform_indices = #map1}, {transform_indices = #map1}, {transform_indices = #map}, {transform_indices = #map2}]} {
    %mul3A = arith.constant 2 : i32
    %mul3A_0 = arith.muli %arg1, %mul3A : i32
    %add3A = arith.addi %mul3A_0, %arg0 : i32
    %mul3A_1 = arith.constant 632 : i32
    %mul3A_2 = arith.muli %arg1, %mul3A_1 : i32
    "tpu.region"() ({
      %run_scoped3A = tpu.sem_alloc : memref<!tpu.dma_semaphore, #tpu.memory_space<semaphore_mem>>
      %dma_start3A = arith.constant 0 : i32
      %dma_start3A_11 = tpu.memref_slice %arg10[%mul3A_2, %dma_start3A] : memref<10112x128xf32, #tpu.memory_space<vmem_shared>> -> memref<632x128xf32, #tpu.memory_space<vmem_shared>>
      %dma_start3A_12 = arith.constant 0 : i32
      %dma_start3A_13 = tpu.memref_slice %arg5[%mul3A_2, %dma_start3A_12] : memref<10112x128xf32, #tpu.memory_space<hbm>> -> memref<632x128xf32, #tpu.memory_space<hbm>>
      tpu.enqueue_dma source(%dma_start3A_13 : memref<632x128xf32, #tpu.memory_space<hbm>>) target(%dma_start3A_11 : memref<632x128xf32, #tpu.memory_space<vmem_shared>>) target_semaphore(%run_scoped3A : memref<!tpu.dma_semaphore, #tpu.memory_space<semaphore_mem>>)
      %dma_wait3A = arith.constant 0 : i32
      %dma_wait3A_14 = tpu.memref_slice %arg10[%mul3A_2, %dma_wait3A] : memref<10112x128xf32, #tpu.memory_space<vmem_shared>> -> memref<632x128xf32, #tpu.memory_space<vmem_shared>>
      %dma_wait3A_15 = arith.constant 0 : i32
      %dma_wait3A_16 = tpu.memref_slice %arg5[%mul3A_2, %dma_wait3A_15] : memref<10112x128xf32, #tpu.memory_space<hbm>> -> memref<632x128xf32, #tpu.memory_space<hbm>>
      tpu.wait_dma2 semaphore(%run_scoped3A : memref<!tpu.dma_semaphore, #tpu.memory_space<semaphore_mem>>) src(%dma_wait3A_16 : memref<632x128xf32, #tpu.memory_space<hbm>>) dst(%dma_wait3A_14 : memref<632x128xf32, #tpu.memory_space<vmem_shared>>)
      tpu.yield
    }) : () -> ()
    %barrier3A = arith.constant 0 : index
    tpu.barrier barrier_id(%barrier3A)
    %mul3A_3 = arith.constant 10240 : i32
    %mul3A_4 = arith.muli %add3A, %mul3A_3 : i32
    %scan3A = arith.constant 0 : i32
    %scan3A_5 = arith.constant 0 : i32
    %scan3A_6 = arith.constant 80 : i32
    %scan3A_7 = arith.addi %scan3A_5, %scan3A_6 : i32
    %scan3A_8 = arith.constant 1 : i32
    scf.for %scan3A_11 = %scan3A_5 to %scan3A_7 step %scan3A_8  : i32 {
      %mul3A_12 = arith.constant 128 : i32
      %mul3A_13 = arith.muli %scan3A_11, %mul3A_12 : i32
      %add3A_14 = arith.addi %mul3A_4, %mul3A_13 : i32
      %multiple_of3A = tpu.assume_multiple %add3A_14, 128 : i32
      "tpu.region"() ({
        %run_scoped3A = tpu.sem_alloc : memref<!tpu.dma_semaphore, #tpu.memory_space<semaphore_mem>>
        %dma_start3A_19 = tpu.memref_slice %arg3[%multiple_of3A] : memref<327680xi32, #tpu.memory_space<hbm>> -> memref<128xi32, #tpu.memory_space<hbm>>
        %dma_start3A_20 = tpu.memref_slice %arg3[%multiple_of3A] : memref<327680xi32, #tpu.memory_space<hbm>> -> memref<128xi32, #tpu.memory_space<hbm>>
        tpu.enqueue_dma source(%dma_start3A_20 : memref<128xi32, #tpu.memory_space<hbm>>) target(%arg7 : memref<128xi32, #tpu.memory_space<vmem>>) target_semaphore(%run_scoped3A : memref<!tpu.dma_semaphore, #tpu.memory_space<semaphore_mem>>)
        %dma_wait3A_21 = tpu.memref_slice %arg3[%multiple_of3A] : memref<327680xi32, #tpu.memory_space<hbm>> -> memref<128xi32, #tpu.memory_space<hbm>>
        %dma_wait3A_22 = tpu.memref_slice %arg3[%multiple_of3A] : memref<327680xi32, #tpu.memory_space<hbm>> -> memref<128xi32, #tpu.memory_space<hbm>>
        tpu.wait_dma2 semaphore(%run_scoped3A : memref<!tpu.dma_semaphore, #tpu.memory_space<semaphore_mem>>) src(%dma_wait3A_22 : memref<128xi32, #tpu.memory_space<hbm>>) dst(%arg7 : memref<128xi32, #tpu.memory_space<vmem>>)
        tpu.yield
      }) : () -> ()
      "tpu.region"() ({
        %run_scoped3A = tpu.sem_alloc : memref<!tpu.dma_semaphore, #tpu.memory_space<semaphore_mem>>
        %dma_start3A_19 = tpu.memref_slice %arg4[%multiple_of3A] : memref<327680xi32, #tpu.memory_space<hbm>> -> memref<128xi32, #tpu.memory_space<hbm>>
        %dma_start3A_20 = tpu.memref_slice %arg4[%multiple_of3A] : memref<327680xi32, #tpu.memory_space<hbm>> -> memref<128xi32, #tpu.memory_space<hbm>>
        tpu.enqueue_dma source(%dma_start3A_20 : memref<128xi32, #tpu.memory_space<hbm>>) target(%arg8 : memref<128xi32, #tpu.memory_space<vmem>>) target_semaphore(%run_scoped3A : memref<!tpu.dma_semaphore, #tpu.memory_space<semaphore_mem>>)
        %dma_wait3A_21 = tpu.memref_slice %arg4[%multiple_of3A] : memref<327680xi32, #tpu.memory_space<hbm>> -> memref<128xi32, #tpu.memory_space<hbm>>
        %dma_wait3A_22 = tpu.memref_slice %arg4[%multiple_of3A] : memref<327680xi32, #tpu.memory_space<hbm>> -> memref<128xi32, #tpu.memory_space<hbm>>
        tpu.wait_dma2 semaphore(%run_scoped3A : memref<!tpu.dma_semaphore, #tpu.memory_space<semaphore_mem>>) src(%dma_wait3A_22 : memref<128xi32, #tpu.memory_space<hbm>>) dst(%arg8 : memref<128xi32, #tpu.memory_space<vmem>>)
        tpu.yield
      }) : () -> ()
      %dma_start3A = arith.constant 0 : i32
      %dma_start3A_15 = arith.constant 0 : i32
      %dma_start3A_16 = tpu.memref_slice %arg2[%dma_start3A, %dma_start3A_15] : memref<10000x128xf32, #tpu.memory_space<hbm>> -> memref<10000x128xf32, #tpu.memory_space<hbm>>
      tpu.enqueue_indirect_dma source(%dma_start3A_16 : memref<10000x128xf32, #tpu.memory_space<hbm>>) target(%arg9 : memref<128x128xf32, #tpu.memory_space<vmem>>) offsets(%arg7 : memref<128xi32, #tpu.memory_space<vmem>>) semaphore(%arg11 : memref<!tpu.dma_semaphore, #tpu.memory_space<semaphore_mem>>)
      %dma_wait3A = arith.constant 0 : i32
      %dma_wait3A_17 = arith.constant 0 : i32
      %dma_wait3A_18 = tpu.memref_slice %arg2[%dma_wait3A, %dma_wait3A_17] : memref<10000x128xf32, #tpu.memory_space<hbm>> -> memref<10000x128xf32, #tpu.memory_space<hbm>>
      tpu.wait_indirect_dma semaphore(%arg11 : memref<!tpu.dma_semaphore, #tpu.memory_space<semaphore_mem>>) src(%dma_wait3A_18 : memref<10000x128xf32, #tpu.memory_space<hbm>>) dst(%arg9 : memref<128x128xf32, #tpu.memory_space<vmem>>)
      "tpu.region"() ({
        %run_scoped3A = tpu.sem_alloc : memref<!tpu.dma_semaphore, #tpu.memory_space<semaphore_mem>>
        %dma_start3A_19 = arith.constant 0 : i32
        %dma_start3A_20 = arith.constant 0 : i32
        %dma_start3A_21 = tpu.memref_slice %arg10[%dma_start3A_19, %dma_start3A_20] : memref<10112x128xf32, #tpu.memory_space<vmem_shared>> -> memref<10112x128xf32, #tpu.memory_space<vmem_shared>>
        tpu.enqueue_indirect_dma source(%arg9 : memref<128x128xf32, #tpu.memory_space<vmem>>) target(%dma_start3A_21 : memref<10112x128xf32, #tpu.memory_space<vmem_shared>>) offsets(%arg8 : memref<128xi32, #tpu.memory_space<vmem>>) semaphore(%run_scoped3A : memref<!tpu.dma_semaphore, #tpu.memory_space<semaphore_mem>>) {add = true}
        %dma_wait3A_22 = arith.constant 0 : i32
        %dma_wait3A_23 = arith.constant 0 : i32
        %dma_wait3A_24 = tpu.memref_slice %arg10[%dma_wait3A_22, %dma_wait3A_23] : memref<10112x128xf32, #tpu.memory_space<vmem_shared>> -> memref<10112x128xf32, #tpu.memory_space<vmem_shared>>
        tpu.wait_indirect_dma semaphore(%run_scoped3A : memref<!tpu.dma_semaphore, #tpu.memory_space<semaphore_mem>>) src(%arg9 : memref<128x128xf32, #tpu.memory_space<vmem>>) dst(%dma_wait3A_24 : memref<10112x128xf32, #tpu.memory_space<vmem_shared>>)
        tpu.yield
      }) : () -> ()
    }
    %scan3A_9 = arith.constant 80 : i32
    %barrier3A_10 = arith.constant 0 : index
    tpu.barrier barrier_id(%barrier3A_10)
    "tpu.region"() ({
      %run_scoped3A = tpu.sem_alloc : memref<!tpu.dma_semaphore, #tpu.memory_space<semaphore_mem>>
      %dma_start3A = arith.constant 0 : i32
      %dma_start3A_11 = tpu.memref_slice %arg6[%arg0, %mul3A_2, %dma_start3A] : memref<2x10112x128xf32, #tpu.memory_space<hbm>> -> memref<1x632x128xf32, #tpu.memory_space<hbm>>
      %dma_start3A_12 = tpu.memref_squeeze %dma_start3A_11 : memref<1x632x128xf32, #tpu.memory_space<hbm>> -> memref<632x128xf32, #tpu.memory_space<hbm>>
      %dma_start3A_13 = arith.constant 0 : i32
      %dma_start3A_14 = tpu.memref_slice %arg10[%mul3A_2, %dma_start3A_13] : memref<10112x128xf32, #tpu.memory_space<vmem_shared>> -> memref<632x128xf32, #tpu.memory_space<vmem_shared>>
      tpu.enqueue_dma source(%dma_start3A_14 : memref<632x128xf32, #tpu.memory_space<vmem_shared>>) target(%dma_start3A_12 : memref<632x128xf32, #tpu.memory_space<hbm>>) target_semaphore(%run_scoped3A : memref<!tpu.dma_semaphore, #tpu.memory_space<semaphore_mem>>)
      %dma_wait3A = arith.constant 0 : i32
      %dma_wait3A_15 = tpu.memref_slice %arg6[%arg0, %mul3A_2, %dma_wait3A] : memref<2x10112x128xf32, #tpu.memory_space<hbm>> -> memref<1x632x128xf32, #tpu.memory_space<hbm>>
      %dma_wait3A_16 = tpu.memref_squeeze %dma_wait3A_15 : memref<1x632x128xf32, #tpu.memory_space<hbm>> -> memref<632x128xf32, #tpu.memory_space<hbm>>
      %dma_wait3A_17 = arith.constant 0 : i32
      %dma_wait3A_18 = tpu.memref_slice %arg10[%mul3A_2, %dma_wait3A_17] : memref<10112x128xf32, #tpu.memory_space<vmem_shared>> -> memref<632x128xf32, #tpu.memory_space<vmem_shared>>
      tpu.wait_dma2 semaphore(%run_scoped3A : memref<!tpu.dma_semaphore, #tpu.memory_space<semaphore_mem>>) src(%dma_wait3A_18 : memref<632x128xf32, #tpu.memory_space<vmem_shared>>) dst(%dma_wait3A_16 : memref<632x128xf32, #tpu.memory_space<hbm>>)
      tpu.yield
    }) : () -> ()
    return
  }
}

#map = affine_map<(d0, d1) -> (0, 0)>
#map1 = affine_map<(d0, d1) -> (0)>
#map2 = affine_map<(d0, d1) -> (0, 0, 0)>
module attributes {stable_mosaic.version = 14 : i64} {
  func.func @_seg_sum_sc(%arg0: i32, %arg1: i32, %arg2: memref<10000x128xf32, #tpu.memory_space<hbm>>, %arg3: memref<327680xi32, #tpu.memory_space<hbm>>, %arg4: memref<327680xi32, #tpu.memory_space<hbm>>, %arg5: memref<10112x128xf32, #tpu.memory_space<hbm>>, %arg6: memref<2x10112x128xf32, #tpu.memory_space<hbm>>, %arg7: memref<128xi32, #tpu.memory_space<vmem>>, %arg8: memref<128xi32, #tpu.memory_space<vmem>>, %arg9: memref<128x128xf32, #tpu.memory_space<vmem>>, %arg10: memref<10112x128xf32, #tpu.memory_space<vmem_shared>>, %arg11: memref<!tpu.dma_semaphore, #tpu.memory_space<semaphore_mem>>) attributes {dimension_semantics = [#tpu.dimension_semantics<core_parallel>, #tpu.dimension_semantics<subcore_parallel>], iteration_bounds = array<i64: 2, 16>, scalar_prefetch = 0 : i64, scratch_operands = 5 : i64, tpu.core_type = #tpu.core_type<sc_vector_subcore>, window_params = [{transform_indices = #map}, {transform_indices = #map1}, {transform_indices = #map1}, {transform_indices = #map}, {transform_indices = #map2}]} {
    %mul3A = arith.constant 2 : i32
    %mul3A_0 = arith.muli %arg1, %mul3A : i32
    %add3A = arith.addi %mul3A_0, %arg0 : i32
    %mul3A_1 = arith.constant 632 : i32
    %mul3A_2 = arith.muli %arg1, %mul3A_1 : i32
    "tpu.region"() ({
      %run_scoped3A = tpu.sem_alloc : memref<!tpu.dma_semaphore, #tpu.memory_space<semaphore_mem>>
      %dma_start3A = arith.constant 0 : i32
      %dma_start3A_11 = tpu.memref_slice %arg10[%mul3A_2, %dma_start3A] : memref<10112x128xf32, #tpu.memory_space<vmem_shared>> -> memref<632x128xf32, #tpu.memory_space<vmem_shared>>
      %dma_start3A_12 = arith.constant 0 : i32
      %dma_start3A_13 = tpu.memref_slice %arg5[%mul3A_2, %dma_start3A_12] : memref<10112x128xf32, #tpu.memory_space<hbm>> -> memref<632x128xf32, #tpu.memory_space<hbm>>
      tpu.enqueue_dma source(%dma_start3A_13 : memref<632x128xf32, #tpu.memory_space<hbm>>) target(%dma_start3A_11 : memref<632x128xf32, #tpu.memory_space<vmem_shared>>) target_semaphore(%run_scoped3A : memref<!tpu.dma_semaphore, #tpu.memory_space<semaphore_mem>>)
      %dma_wait3A = arith.constant 0 : i32
      %dma_wait3A_14 = tpu.memref_slice %arg10[%mul3A_2, %dma_wait3A] : memref<10112x128xf32, #tpu.memory_space<vmem_shared>> -> memref<632x128xf32, #tpu.memory_space<vmem_shared>>
      %dma_wait3A_15 = arith.constant 0 : i32
      %dma_wait3A_16 = tpu.memref_slice %arg5[%mul3A_2, %dma_wait3A_15] : memref<10112x128xf32, #tpu.memory_space<hbm>> -> memref<632x128xf32, #tpu.memory_space<hbm>>
      tpu.wait_dma2 semaphore(%run_scoped3A : memref<!tpu.dma_semaphore, #tpu.memory_space<semaphore_mem>>) src(%dma_wait3A_16 : memref<632x128xf32, #tpu.memory_space<hbm>>) dst(%dma_wait3A_14 : memref<632x128xf32, #tpu.memory_space<vmem_shared>>)
      tpu.yield
    }) : () -> ()
    %barrier3A = arith.constant 0 : index
    tpu.barrier barrier_id(%barrier3A)
    %mul3A_3 = arith.constant 10240 : i32
    %mul3A_4 = arith.muli %add3A, %mul3A_3 : i32
    %scan3A = arith.constant 0 : i32
    %scan3A_5 = arith.constant 0 : i32
    %scan3A_6 = arith.constant 80 : i32
    %scan3A_7 = arith.addi %scan3A_5, %scan3A_6 : i32
    %scan3A_8 = arith.constant 1 : i32
    scf.for %scan3A_11 = %scan3A_5 to %scan3A_7 step %scan3A_8  : i32 {
      %mul3A_12 = arith.constant 128 : i32
      %mul3A_13 = arith.muli %scan3A_11, %mul3A_12 : i32
      %add3A_14 = arith.addi %mul3A_4, %mul3A_13 : i32
      %multiple_of3A = tpu.assume_multiple %add3A_14, 128 : i32
      "tpu.region"() ({
        %run_scoped3A = tpu.sem_alloc : memref<!tpu.dma_semaphore, #tpu.memory_space<semaphore_mem>>
        %dma_start3A_19 = tpu.memref_slice %arg3[%multiple_of3A] : memref<327680xi32, #tpu.memory_space<hbm>> -> memref<128xi32, #tpu.memory_space<hbm>>
        %dma_start3A_20 = tpu.memref_slice %arg3[%multiple_of3A] : memref<327680xi32, #tpu.memory_space<hbm>> -> memref<128xi32, #tpu.memory_space<hbm>>
        tpu.enqueue_dma source(%dma_start3A_20 : memref<128xi32, #tpu.memory_space<hbm>>) target(%arg7 : memref<128xi32, #tpu.memory_space<vmem>>) target_semaphore(%run_scoped3A : memref<!tpu.dma_semaphore, #tpu.memory_space<semaphore_mem>>)
        %dma_wait3A_21 = tpu.memref_slice %arg3[%multiple_of3A] : memref<327680xi32, #tpu.memory_space<hbm>> -> memref<128xi32, #tpu.memory_space<hbm>>
        %dma_wait3A_22 = tpu.memref_slice %arg3[%multiple_of3A] : memref<327680xi32, #tpu.memory_space<hbm>> -> memref<128xi32, #tpu.memory_space<hbm>>
        tpu.wait_dma2 semaphore(%run_scoped3A : memref<!tpu.dma_semaphore, #tpu.memory_space<semaphore_mem>>) src(%dma_wait3A_22 : memref<128xi32, #tpu.memory_space<hbm>>) dst(%arg7 : memref<128xi32, #tpu.memory_space<vmem>>)
        tpu.yield
      }) : () -> ()
      "tpu.region"() ({
        %run_scoped3A = tpu.sem_alloc : memref<!tpu.dma_semaphore, #tpu.memory_space<semaphore_mem>>
        %dma_start3A_19 = tpu.memref_slice %arg4[%multiple_of3A] : memref<327680xi32, #tpu.memory_space<hbm>> -> memref<128xi32, #tpu.memory_space<hbm>>
        %dma_start3A_20 = tpu.memref_slice %arg4[%multiple_of3A] : memref<327680xi32, #tpu.memory_space<hbm>> -> memref<128xi32, #tpu.memory_space<hbm>>
        tpu.enqueue_dma source(%dma_start3A_20 : memref<128xi32, #tpu.memory_space<hbm>>) target(%arg8 : memref<128xi32, #tpu.memory_space<vmem>>) target_semaphore(%run_scoped3A : memref<!tpu.dma_semaphore, #tpu.memory_space<semaphore_mem>>)
        %dma_wait3A_21 = tpu.memref_slice %arg4[%multiple_of3A] : memref<327680xi32, #tpu.memory_space<hbm>> -> memref<128xi32, #tpu.memory_space<hbm>>
        %dma_wait3A_22 = tpu.memref_slice %arg4[%multiple_of3A] : memref<327680xi32, #tpu.memory_space<hbm>> -> memref<128xi32, #tpu.memory_space<hbm>>
        tpu.wait_dma2 semaphore(%run_scoped3A : memref<!tpu.dma_semaphore, #tpu.memory_space<semaphore_mem>>) src(%dma_wait3A_22 : memref<128xi32, #tpu.memory_space<hbm>>) dst(%arg8 : memref<128xi32, #tpu.memory_space<vmem>>)
        tpu.yield
      }) : () -> ()
      %dma_start3A = arith.constant 0 : i32
      %dma_start3A_15 = arith.constant 0 : i32
      %dma_start3A_16 = tpu.memref_slice %arg2[%dma_start3A, %dma_start3A_15] : memref<10000x128xf32, #tpu.memory_space<hbm>> -> memref<10000x128xf32, #tpu.memory_space<hbm>>
      tpu.enqueue_indirect_dma source(%dma_start3A_16 : memref<10000x128xf32, #tpu.memory_space<hbm>>) target(%arg9 : memref<128x128xf32, #tpu.memory_space<vmem>>) offsets(%arg7 : memref<128xi32, #tpu.memory_space<vmem>>) semaphore(%arg11 : memref<!tpu.dma_semaphore, #tpu.memory_space<semaphore_mem>>)
      %dma_wait3A = arith.constant 0 : i32
      %dma_wait3A_17 = arith.constant 0 : i32
      %dma_wait3A_18 = tpu.memref_slice %arg2[%dma_wait3A, %dma_wait3A_17] : memref<10000x128xf32, #tpu.memory_space<hbm>> -> memref<10000x128xf32, #tpu.memory_space<hbm>>
      tpu.wait_indirect_dma semaphore(%arg11 : memref<!tpu.dma_semaphore, #tpu.memory_space<semaphore_mem>>) src(%dma_wait3A_18 : memref<10000x128xf32, #tpu.memory_space<hbm>>) dst(%arg9 : memref<128x128xf32, #tpu.memory_space<vmem>>)
      "tpu.region"() ({
        %run_scoped3A = tpu.sem_alloc : memref<!tpu.dma_semaphore, #tpu.memory_space<semaphore_mem>>
        %dma_start3A_19 = arith.constant 0 : i32
        %dma_start3A_20 = arith.constant 0 : i32
        %dma_start3A_21 = tpu.memref_slice %arg10[%dma_start3A_19, %dma_start3A_20] : memref<10112x128xf32, #tpu.memory_space<vmem_shared>> -> memref<10112x128xf32, #tpu.memory_space<vmem_shared>>
        tpu.enqueue_indirect_dma source(%arg9 : memref<128x128xf32, #tpu.memory_space<vmem>>) target(%dma_start3A_21 : memref<10112x128xf32, #tpu.memory_space<vmem_shared>>) offsets(%arg8 : memref<128xi32, #tpu.memory_space<vmem>>) semaphore(%run_scoped3A : memref<!tpu.dma_semaphore, #tpu.memory_space<semaphore_mem>>) {add = true}
        %dma_wait3A_22 = arith.constant 0 : i32
        %dma_wait3A_23 = arith.constant 0 : i32
        %dma_wait3A_24 = tpu.memref_slice %arg10[%dma_wait3A_22, %dma_wait3A_23] : memref<10112x128xf32, #tpu.memory_space<vmem_shared>> -> memref<10112x128xf32, #tpu.memory_space<vmem_shared>>
        tpu.wait_indirect_dma semaphore(%run_scoped3A : memref<!tpu.dma_semaphore, #tpu.memory_space<semaphore_mem>>) src(%arg9 : memref<128x128xf32, #tpu.memory_space<vmem>>) dst(%dma_wait3A_24 : memref<10112x128xf32, #tpu.memory_space<vmem_shared>>)
        tpu.yield
      }) : () -> ()
    }
    %scan3A_9 = arith.constant 80 : i32
    %barrier3A_10 = arith.constant 0 : index
    tpu.barrier barrier_id(%barrier3A_10)
    "tpu.region"() ({
      %run_scoped3A = tpu.sem_alloc : memref<!tpu.dma_semaphore, #tpu.memory_space<semaphore_mem>>
      %dma_start3A = arith.constant 0 : i32
      %dma_start3A_11 = tpu.memref_slice %arg6[%arg0, %mul3A_2, %dma_start3A] : memref<2x10112x128xf32, #tpu.memory_space<hbm>> -> memref<1x632x128xf32, #tpu.memory_space<hbm>>
      %dma_start3A_12 = tpu.memref_squeeze %dma_start3A_11 : memref<1x632x128xf32, #tpu.memory_space<hbm>> -> memref<632x128xf32, #tpu.memory_space<hbm>>
      %dma_start3A_13 = arith.constant 0 : i32
      %dma_start3A_14 = tpu.memref_slice %arg10[%mul3A_2, %dma_start3A_13] : memref<10112x128xf32, #tpu.memory_space<vmem_shared>> -> memref<632x128xf32, #tpu.memory_space<vmem_shared>>
      tpu.enqueue_dma source(%dma_start3A_14 : memref<632x128xf32, #tpu.memory_space<vmem_shared>>) target(%dma_start3A_12 : memref<632x128xf32, #tpu.memory_space<hbm>>) target_semaphore(%run_scoped3A : memref<!tpu.dma_semaphore, #tpu.memory_space<semaphore_mem>>)
      %dma_wait3A = arith.constant 0 : i32
      %dma_wait3A_15 = tpu.memref_slice %arg6[%arg0, %mul3A_2, %dma_wait3A] : memref<2x10112x128xf32, #tpu.memory_space<hbm>> -> memref<1x632x128xf32, #tpu.memory_space<hbm>>
      %dma_wait3A_16 = tpu.memref_squeeze %dma_wait3A_15 : memref<1x632x128xf32, #tpu.memory_space<hbm>> -> memref<632x128xf32, #tpu.memory_space<hbm>>
      %dma_wait3A_17 = arith.constant 0 : i32
      %dma_wait3A_18 = tpu.memref_slice %arg10[%mul3A_2, %dma_wait3A_17] : memref<10112x128xf32, #tpu.memory_space<vmem_shared>> -> memref<632x128xf32, #tpu.memory_space<vmem_shared>>
      tpu.wait_dma2 semaphore(%run_scoped3A : memref<!tpu.dma_semaphore, #tpu.memory_space<semaphore_mem>>) src(%dma_wait3A_18 : memref<632x128xf32, #tpu.memory_space<vmem_shared>>) dst(%dma_wait3A_16 : memref<632x128xf32, #tpu.memory_space<hbm>>)
      tpu.yield
    }) : () -> ()
    return
  }
}

#map = affine_map<(d0, d1) -> (0, 0)>
#map1 = affine_map<(d0, d1) -> (0)>
#map2 = affine_map<(d0, d1) -> (0, 0, 0)>
module attributes {stable_mosaic.version = 14 : i64} {
  func.func @_seg_sum_sc(%arg0: i32, %arg1: i32, %arg2: memref<10000x128xf32, #tpu.memory_space<hbm>>, %arg3: memref<327680xi32, #tpu.memory_space<hbm>>, %arg4: memref<327680xi32, #tpu.memory_space<hbm>>, %arg5: memref<10112x128xf32, #tpu.memory_space<hbm>>, %arg6: memref<2x10112x128xf32, #tpu.memory_space<hbm>>, %arg7: memref<128xi32, #tpu.memory_space<vmem>>, %arg8: memref<128xi32, #tpu.memory_space<vmem>>, %arg9: memref<128x128xf32, #tpu.memory_space<vmem>>, %arg10: memref<10112x128xf32, #tpu.memory_space<vmem_shared>>, %arg11: memref<!tpu.dma_semaphore, #tpu.memory_space<semaphore_mem>>) attributes {dimension_semantics = [#tpu.dimension_semantics<core_parallel>, #tpu.dimension_semantics<subcore_parallel>], iteration_bounds = array<i64: 2, 16>, scalar_prefetch = 0 : i64, scratch_operands = 5 : i64, tpu.core_type = #tpu.core_type<sc_vector_subcore>, window_params = [{transform_indices = #map}, {transform_indices = #map1}, {transform_indices = #map1}, {transform_indices = #map}, {transform_indices = #map2}]} {
    %mul3A = arith.constant 2 : i32
    %mul3A_0 = arith.muli %arg1, %mul3A : i32
    %add3A = arith.addi %mul3A_0, %arg0 : i32
    %mul3A_1 = arith.constant 632 : i32
    %mul3A_2 = arith.muli %arg1, %mul3A_1 : i32
    "tpu.region"() ({
      %run_scoped3A = tpu.sem_alloc : memref<!tpu.dma_semaphore, #tpu.memory_space<semaphore_mem>>
      %dma_start3A = arith.constant 0 : i32
      %dma_start3A_11 = tpu.memref_slice %arg10[%mul3A_2, %dma_start3A] : memref<10112x128xf32, #tpu.memory_space<vmem_shared>> -> memref<632x128xf32, #tpu.memory_space<vmem_shared>>
      %dma_start3A_12 = arith.constant 0 : i32
      %dma_start3A_13 = tpu.memref_slice %arg5[%mul3A_2, %dma_start3A_12] : memref<10112x128xf32, #tpu.memory_space<hbm>> -> memref<632x128xf32, #tpu.memory_space<hbm>>
      tpu.enqueue_dma source(%dma_start3A_13 : memref<632x128xf32, #tpu.memory_space<hbm>>) target(%dma_start3A_11 : memref<632x128xf32, #tpu.memory_space<vmem_shared>>) target_semaphore(%run_scoped3A : memref<!tpu.dma_semaphore, #tpu.memory_space<semaphore_mem>>)
      %dma_wait3A = arith.constant 0 : i32
      %dma_wait3A_14 = tpu.memref_slice %arg10[%mul3A_2, %dma_wait3A] : memref<10112x128xf32, #tpu.memory_space<vmem_shared>> -> memref<632x128xf32, #tpu.memory_space<vmem_shared>>
      %dma_wait3A_15 = arith.constant 0 : i32
      %dma_wait3A_16 = tpu.memref_slice %arg5[%mul3A_2, %dma_wait3A_15] : memref<10112x128xf32, #tpu.memory_space<hbm>> -> memref<632x128xf32, #tpu.memory_space<hbm>>
      tpu.wait_dma2 semaphore(%run_scoped3A : memref<!tpu.dma_semaphore, #tpu.memory_space<semaphore_mem>>) src(%dma_wait3A_16 : memref<632x128xf32, #tpu.memory_space<hbm>>) dst(%dma_wait3A_14 : memref<632x128xf32, #tpu.memory_space<vmem_shared>>)
      tpu.yield
    }) : () -> ()
    %barrier3A = arith.constant 0 : index
    tpu.barrier barrier_id(%barrier3A)
    %mul3A_3 = arith.constant 10240 : i32
    %mul3A_4 = arith.muli %add3A, %mul3A_3 : i32
    %scan3A = arith.constant 0 : i32
    %scan3A_5 = arith.constant 0 : i32
    %scan3A_6 = arith.constant 80 : i32
    %scan3A_7 = arith.addi %scan3A_5, %scan3A_6 : i32
    %scan3A_8 = arith.constant 1 : i32
    scf.for %scan3A_11 = %scan3A_5 to %scan3A_7 step %scan3A_8  : i32 {
      %mul3A_12 = arith.constant 128 : i32
      %mul3A_13 = arith.muli %scan3A_11, %mul3A_12 : i32
      %add3A_14 = arith.addi %mul3A_4, %mul3A_13 : i32
      %multiple_of3A = tpu.assume_multiple %add3A_14, 128 : i32
      "tpu.region"() ({
        %run_scoped3A = tpu.sem_alloc : memref<!tpu.dma_semaphore, #tpu.memory_space<semaphore_mem>>
        %dma_start3A_19 = tpu.memref_slice %arg3[%multiple_of3A] : memref<327680xi32, #tpu.memory_space<hbm>> -> memref<128xi32, #tpu.memory_space<hbm>>
        %dma_start3A_20 = tpu.memref_slice %arg3[%multiple_of3A] : memref<327680xi32, #tpu.memory_space<hbm>> -> memref<128xi32, #tpu.memory_space<hbm>>
        tpu.enqueue_dma source(%dma_start3A_20 : memref<128xi32, #tpu.memory_space<hbm>>) target(%arg7 : memref<128xi32, #tpu.memory_space<vmem>>) target_semaphore(%run_scoped3A : memref<!tpu.dma_semaphore, #tpu.memory_space<semaphore_mem>>)
        %dma_wait3A_21 = tpu.memref_slice %arg3[%multiple_of3A] : memref<327680xi32, #tpu.memory_space<hbm>> -> memref<128xi32, #tpu.memory_space<hbm>>
        %dma_wait3A_22 = tpu.memref_slice %arg3[%multiple_of3A] : memref<327680xi32, #tpu.memory_space<hbm>> -> memref<128xi32, #tpu.memory_space<hbm>>
        tpu.wait_dma2 semaphore(%run_scoped3A : memref<!tpu.dma_semaphore, #tpu.memory_space<semaphore_mem>>) src(%dma_wait3A_22 : memref<128xi32, #tpu.memory_space<hbm>>) dst(%arg7 : memref<128xi32, #tpu.memory_space<vmem>>)
        tpu.yield
      }) : () -> ()
      "tpu.region"() ({
        %run_scoped3A = tpu.sem_alloc : memref<!tpu.dma_semaphore, #tpu.memory_space<semaphore_mem>>
        %dma_start3A_19 = tpu.memref_slice %arg4[%multiple_of3A] : memref<327680xi32, #tpu.memory_space<hbm>> -> memref<128xi32, #tpu.memory_space<hbm>>
        %dma_start3A_20 = tpu.memref_slice %arg4[%multiple_of3A] : memref<327680xi32, #tpu.memory_space<hbm>> -> memref<128xi32, #tpu.memory_space<hbm>>
        tpu.enqueue_dma source(%dma_start3A_20 : memref<128xi32, #tpu.memory_space<hbm>>) target(%arg8 : memref<128xi32, #tpu.memory_space<vmem>>) target_semaphore(%run_scoped3A : memref<!tpu.dma_semaphore, #tpu.memory_space<semaphore_mem>>)
        %dma_wait3A_21 = tpu.memref_slice %arg4[%multiple_of3A] : memref<327680xi32, #tpu.memory_space<hbm>> -> memref<128xi32, #tpu.memory_space<hbm>>
        %dma_wait3A_22 = tpu.memref_slice %arg4[%multiple_of3A] : memref<327680xi32, #tpu.memory_space<hbm>> -> memref<128xi32, #tpu.memory_space<hbm>>
        tpu.wait_dma2 semaphore(%run_scoped3A : memref<!tpu.dma_semaphore, #tpu.memory_space<semaphore_mem>>) src(%dma_wait3A_22 : memref<128xi32, #tpu.memory_space<hbm>>) dst(%arg8 : memref<128xi32, #tpu.memory_space<vmem>>)
        tpu.yield
      }) : () -> ()
      %dma_start3A = arith.constant 0 : i32
      %dma_start3A_15 = arith.constant 0 : i32
      %dma_start3A_16 = tpu.memref_slice %arg2[%dma_start3A, %dma_start3A_15] : memref<10000x128xf32, #tpu.memory_space<hbm>> -> memref<10000x128xf32, #tpu.memory_space<hbm>>
      tpu.enqueue_indirect_dma source(%dma_start3A_16 : memref<10000x128xf32, #tpu.memory_space<hbm>>) target(%arg9 : memref<128x128xf32, #tpu.memory_space<vmem>>) offsets(%arg7 : memref<128xi32, #tpu.memory_space<vmem>>) semaphore(%arg11 : memref<!tpu.dma_semaphore, #tpu.memory_space<semaphore_mem>>)
      %dma_wait3A = arith.constant 0 : i32
      %dma_wait3A_17 = arith.constant 0 : i32
      %dma_wait3A_18 = tpu.memref_slice %arg2[%dma_wait3A, %dma_wait3A_17] : memref<10000x128xf32, #tpu.memory_space<hbm>> -> memref<10000x128xf32, #tpu.memory_space<hbm>>
      tpu.wait_indirect_dma semaphore(%arg11 : memref<!tpu.dma_semaphore, #tpu.memory_space<semaphore_mem>>) src(%dma_wait3A_18 : memref<10000x128xf32, #tpu.memory_space<hbm>>) dst(%arg9 : memref<128x128xf32, #tpu.memory_space<vmem>>)
      "tpu.region"() ({
        %run_scoped3A = tpu.sem_alloc : memref<!tpu.dma_semaphore, #tpu.memory_space<semaphore_mem>>
        %dma_start3A_19 = arith.constant 0 : i32
        %dma_start3A_20 = arith.constant 0 : i32
        %dma_start3A_21 = tpu.memref_slice %arg10[%dma_start3A_19, %dma_start3A_20] : memref<10112x128xf32, #tpu.memory_space<vmem_shared>> -> memref<10112x128xf32, #tpu.memory_space<vmem_shared>>
        tpu.enqueue_indirect_dma source(%arg9 : memref<128x128xf32, #tpu.memory_space<vmem>>) target(%dma_start3A_21 : memref<10112x128xf32, #tpu.memory_space<vmem_shared>>) offsets(%arg8 : memref<128xi32, #tpu.memory_space<vmem>>) semaphore(%run_scoped3A : memref<!tpu.dma_semaphore, #tpu.memory_space<semaphore_mem>>) {add = true}
        %dma_wait3A_22 = arith.constant 0 : i32
        %dma_wait3A_23 = arith.constant 0 : i32
        %dma_wait3A_24 = tpu.memref_slice %arg10[%dma_wait3A_22, %dma_wait3A_23] : memref<10112x128xf32, #tpu.memory_space<vmem_shared>> -> memref<10112x128xf32, #tpu.memory_space<vmem_shared>>
        tpu.wait_indirect_dma semaphore(%run_scoped3A : memref<!tpu.dma_semaphore, #tpu.memory_space<semaphore_mem>>) src(%arg9 : memref<128x128xf32, #tpu.memory_space<vmem>>) dst(%dma_wait3A_24 : memref<10112x128xf32, #tpu.memory_space<vmem_shared>>)
        tpu.yield
      }) : () -> ()
    }
    %scan3A_9 = arith.constant 80 : i32
    %barrier3A_10 = arith.constant 0 : index
    tpu.barrier barrier_id(%barrier3A_10)
    "tpu.region"() ({
      %run_scoped3A = tpu.sem_alloc : memref<!tpu.dma_semaphore, #tpu.memory_space<semaphore_mem>>
      %dma_start3A = arith.constant 0 : i32
      %dma_start3A_11 = tpu.memref_slice %arg6[%arg0, %mul3A_2, %dma_start3A] : memref<2x10112x128xf32, #tpu.memory_space<hbm>> -> memref<1x632x128xf32, #tpu.memory_space<hbm>>
      %dma_start3A_12 = tpu.memref_squeeze %dma_start3A_11 : memref<1x632x128xf32, #tpu.memory_space<hbm>> -> memref<632x128xf32, #tpu.memory_space<hbm>>
      %dma_start3A_13 = arith.constant 0 : i32
      %dma_start3A_14 = tpu.memref_slice %arg10[%mul3A_2, %dma_start3A_13] : memref<10112x128xf32, #tpu.memory_space<vmem_shared>> -> memref<632x128xf32, #tpu.memory_space<vmem_shared>>
      tpu.enqueue_dma source(%dma_start3A_14 : memref<632x128xf32, #tpu.memory_space<vmem_shared>>) target(%dma_start3A_12 : memref<632x128xf32, #tpu.memory_space<hbm>>) target_semaphore(%run_scoped3A : memref<!tpu.dma_semaphore, #tpu.memory_space<semaphore_mem>>)
      %dma_wait3A = arith.constant 0 : i32
      %dma_wait3A_15 = tpu.memref_slice %arg6[%arg0, %mul3A_2, %dma_wait3A] : memref<2x10112x128xf32, #tpu.memory_space<hbm>> -> memref<1x632x128xf32, #tpu.memory_space<hbm>>
      %dma_wait3A_16 = tpu.memref_squeeze %dma_wait3A_15 : memref<1x632x128xf32, #tpu.memory_space<hbm>> -> memref<632x128xf32, #tpu.memory_space<hbm>>
      %dma_wait3A_17 = arith.constant 0 : i32
      %dma_wait3A_18 = tpu.memref_slice %arg10[%mul3A_2, %dma_wait3A_17] : memref<10112x128xf32, #tpu.memory_space<vmem_shared>> -> memref<632x128xf32, #tpu.memory_space<vmem_shared>>
      tpu.wait_dma2 semaphore(%run_scoped3A : memref<!tpu.dma_semaphore, #tpu.memory_space<semaphore_mem>>) src(%dma_wait3A_18 : memref<632x128xf32, #tpu.memory_space<vmem_shared>>) dst(%dma_wait3A_16 : memref<632x128xf32, #tpu.memory_space<hbm>>)
      tpu.yield
    }) : () -> ()
    return
  }
}

module attributes {stable_mosaic.version = 14 : i64} {
  func.func @_pre_body(%arg0: i32, %arg1: memref<1000x128xf32, #tpu.memory_space<vmem>>, %arg2: memref<128x128xf32, #tpu.memory_space<vmem>>, %arg3: memref<128x200xf32, #tpu.memory_space<vmem>>, %arg4: memref<1x200xf32, #tpu.memory_space<vmem>>, %arg5: memref<1000x128xf32, #tpu.memory_space<vmem>>, %arg6: memref<1000x200xf32, #tpu.memory_space<vmem>>, %arg7: memref<50x50xf32, #tpu.memory_space<vmem>>, %arg8: memref<1x50xf32, #tpu.memory_space<vmem>>, %arg9: memref<1x50xf32, #tpu.memory_space<vmem>>) attributes {dimension_semantics = [#tpu.dimension_semantics<arbitrary>], iteration_bounds = array<i64: 10>, scalar_prefetch = 0 : i64, scratch_operands = 0 : i64, tpu.core_type = #tpu.core_type<tc>, window_params = [{transform_indices = @transform_0, window_bounds = array<i64: 1000, 128>}, {pipeline_mode = #tpu.pipeline_mode<synchronous>, transform_indices = @transform_1, window_bounds = array<i64: 128, 128>}, {pipeline_mode = #tpu.pipeline_mode<synchronous>, transform_indices = @transform_2, window_bounds = array<i64: 128, 200>}, {pipeline_mode = #tpu.pipeline_mode<synchronous>, transform_indices = @transform_3, window_bounds = array<i64: 1, 200>}, {transform_indices = @transform_4, window_bounds = array<i64: 1000, 128>}, {transform_indices = @transform_5, window_bounds = array<i64: 1000, 200>}, {pipeline_mode = #tpu.pipeline_mode<synchronous>, transform_indices = @transform_6, window_bounds = array<i64: 50, 50>}, {pipeline_mode = #tpu.pipeline_mode<synchronous>, transform_indices = @transform_7, window_bounds = array<i64: 1, 50>}, {pipeline_mode = #tpu.pipeline_mode<synchronous>, transform_indices = @transform_8, window_bounds = array<i64: 1, 50>}]} {
    %get3A = arith.constant 0 : index
    %get3A_0 = arith.constant 0 : index
    %get3A_1 = vector.load %arg1[%get3A, %get3A_0] : memref<1000x128xf32, #tpu.memory_space<vmem>>, vector<1000x128xf32>
    %get3A_2 = arith.constant 0 : index
    %get3A_3 = arith.constant 0 : index
    %get3A_4 = vector.load %arg2[%get3A_2, %get3A_3] : memref<128x128xf32, #tpu.memory_space<vmem>>, vector<128x128xf32>
    %dot_general3A = arith.constant dense<0.000000e+00> : vector<1000x128xf32>
    %dot_general3A_5 = tpu.matmul %get3A_1, %get3A_4, %dot_general3A {dimension_numbers = #tpu.dot_dimension_numbers<[1], [0], [0], [1], [0, 0, 1, 1], [], []>, transpose_lhs_hint = false} : vector<1000x128xf32>, vector<128x128xf32>, vector<1000x128xf32> -> vector<1000x128xf32>
    %swap3A = arith.constant 0 : index
    %swap3A_6 = arith.constant 0 : index
    %swap3A_7 = vector.load %arg5[%swap3A, %swap3A_6] : memref<1000x128xf32, #tpu.memory_space<vmem>>, vector<1000x128xf32>
    tpu.vector_store %arg5[%swap3A, %swap3A_6], %dot_general3A_5 {strides = array<i32>} : memref<1000x128xf32, #tpu.memory_space<vmem>>, vector<1000x128xf32>,
    %get3A_8 = arith.constant 0 : index
    %get3A_9 = arith.constant 0 : index
    %get3A_10 = vector.load %arg3[%get3A_8, %get3A_9] : memref<128x200xf32, #tpu.memory_space<vmem>>, vector<128x200xf32>
    %dot_general3A_11 = arith.constant dense<0.000000e+00> : vector<1000x200xf32>
    %dot_general3A_12 = tpu.matmul %get3A_1, %get3A_10, %dot_general3A_11 {dimension_numbers = #tpu.dot_dimension_numbers<[1], [0], [0], [1], [0, 0, 1, 1], [], []>, transpose_lhs_hint = false} : vector<1000x128xf32>, vector<128x200xf32>, vector<1000x200xf32> -> vector<1000x200xf32>
    %get3A_13 = arith.constant 0 : index
    %get3A_14 = arith.constant 0 : index
    %get3A_15 = vector.load %arg4[%get3A_13, %get3A_14] : memref<1x200xf32, #tpu.memory_space<vmem>>, vector<1x200xf32>
    %add3A = vector.broadcast %get3A_15 : vector<1x200xf32> to vector<1000x200xf32>
    %add3A_16 = arith.addf %dot_general3A_12, %add3A : vector<1000x200xf32>
    %max3A = arith.constant 0.000000e+00 : f32
    %max3A_17 = vector.broadcast %max3A : f32 to vector<1000x200xf32>
    %max3A_18 = arith.maximumf %add3A_16, %max3A_17 : vector<1000x200xf32>
    %swap3A_19 = arith.constant 0 : index
    %swap3A_20 = arith.constant 0 : index
    %swap3A_21 = vector.load %arg6[%swap3A_19, %swap3A_20] : memref<1000x200xf32, #tpu.memory_space<vmem>>, vector<1000x200xf32>
    tpu.vector_store %arg6[%swap3A_19, %swap3A_20], %max3A_18 {strides = array<i32>} : memref<1000x200xf32, #tpu.memory_space<vmem>>, vector<1000x200xf32>,
    %slice3A = vector.extract_strided_slice %max3A_18 {offsets = [0, 0], sizes = [1000, 50], strides = [1, 1]} : vector<1000x200xf32> to vector<1000x50xf32>
    %slice3A_22 = vector.extract_strided_slice %max3A_18 {offsets = [0, 50], sizes = [1000, 50], strides = [1, 1]} : vector<1000x200xf32> to vector<1000x50xf32>
    %slice3A_23 = vector.extract_strided_slice %max3A_18 {offsets = [0, 100], sizes = [1000, 50], strides = [1, 1]} : vector<1000x200xf32> to vector<1000x50xf32>
    %dot_general3A_24 = arith.constant dense<0.000000e+00> : vector<50x50xf32>
    %dot_general3A_25 = tpu.matmul %slice3A_22, %slice3A_23, %dot_general3A_24 {dimension_numbers = #tpu.dot_dimension_numbers<[0], [0], [1], [1], [0, 1, 1, 1], [], []>, transpose_lhs_hint = false} : vector<1000x50xf32>, vector<1000x50xf32>, vector<50x50xf32> -> vector<50x50xf32>
    %reduce_sum3A = arith.constant dense<0.000000e+00> : vector<50xf32>
    %reduce_sum3A_26 = vector.multi_reduction <add>, %slice3A_22, %reduce_sum3A [0] : vector<1000x50xf32> to vector<50xf32>
    %broadcast_in_dim3A = vector.shape_cast %reduce_sum3A_26 : vector<50xf32> to vector<1x50xf32>
    %reduce_sum3A_27 = arith.constant dense<0.000000e+00> : vector<50xf32>
    %reduce_sum3A_28 = vector.multi_reduction <add>, %slice3A, %reduce_sum3A_27 [0] : vector<1000x50xf32> to vector<50xf32>
    %broadcast_in_dim3A_29 = vector.shape_cast %reduce_sum3A_28 : vector<50xf32> to vector<1x50xf32>
    %eq3A = arith.constant 0 : i32
    %eq3A_30 = arith.cmpi eq, %arg0, %eq3A : i32
    %convert_element_type3A = arith.extui %eq3A_30 : i1 to i32
    %cond3A = arith.constant 0 : i32
    %cond3A_31 = arith.cmpi ne, %convert_element_type3A, %cond3A : i32
    scf.if %cond3A_31 {
      %swap3A_36 = arith.constant 0 : index
      %swap3A_37 = arith.constant 0 : index
      %swap3A_38 = vector.load %arg7[%swap3A_36, %swap3A_37] : memref<50x50xf32, #tpu.memory_space<vmem>>, vector<50x50xf32>
      tpu.vector_store %arg7[%swap3A_36, %swap3A_37], %dot_general3A_25 {strides = array<i32>} : memref<50x50xf32, #tpu.memory_space<vmem>>, vector<50x50xf32>,
      %swap3A_39 = arith.constant 0 : index
      %swap3A_40 = arith.constant 0 : index
      %swap3A_41 = vector.load %arg8[%swap3A_39, %swap3A_40] : memref<1x50xf32, #tpu.memory_space<vmem>>, vector<1x50xf32>
      tpu.vector_store %arg8[%swap3A_39, %swap3A_40], %broadcast_in_dim3A {strides = array<i32>} : memref<1x50xf32, #tpu.memory_space<vmem>>, vector<1x50xf32>,
      %swap3A_42 = arith.constant 0 : index
      %swap3A_43 = arith.constant 0 : index
      %swap3A_44 = vector.load %arg9[%swap3A_42, %swap3A_43] : memref<1x50xf32, #tpu.memory_space<vmem>>, vector<1x50xf32>
      tpu.vector_store %arg9[%swap3A_42, %swap3A_43], %broadcast_in_dim3A_29 {strides = array<i32>} : memref<1x50xf32, #tpu.memory_space<vmem>>, vector<1x50xf32>,
    } else {
    }
    %ne3A = arith.constant 0 : i32
    %ne3A_32 = arith.cmpi ne, %arg0, %ne3A : i32
    %convert_element_type3A_33 = arith.extui %ne3A_32 : i1 to i32
    %cond3A_34 = arith.constant 0 : i32
    %cond3A_35 = arith.cmpi ne, %convert_element_type3A_33, %cond3A_34 : i32
    scf.if %cond3A_35 {
      %get3A_36 = arith.constant 0 : index
      %get3A_37 = arith.constant 0 : index
      %get3A_38 = vector.load %arg7[%get3A_36, %get3A_37] : memref<50x50xf32, #tpu.memory_space<vmem>>, vector<50x50xf32>
      %add3A_39 = arith.addf %get3A_38, %dot_general3A_25 : vector<50x50xf32>
      %swap3A_40 = arith.constant 0 : index
      %swap3A_41 = arith.constant 0 : index
      %swap3A_42 = vector.load %arg7[%swap3A_40, %swap3A_41] : memref<50x50xf32, #tpu.memory_space<vmem>>, vector<50x50xf32>
      tpu.vector_store %arg7[%swap3A_40, %swap3A_41], %add3A_39 {strides = array<i32>} : memref<50x50xf32, #tpu.memory_space<vmem>>, vector<50x50xf32>,
      %get3A_43 = arith.constant 0 : index
      %get3A_44 = arith.constant 0 : index
      %get3A_45 = vector.load %arg8[%get3A_43, %get3A_44] : memref<1x50xf32, #tpu.memory_space<vmem>>, vector<1x50xf32>
      %add3A_46 = arith.addf %get3A_45, %broadcast_in_dim3A : vector<1x50xf32>
      %swap3A_47 = arith.constant 0 : index
      %swap3A_48 = arith.constant 0 : index
      %swap3A_49 = vector.load %arg8[%swap3A_47, %swap3A_48] : memref<1x50xf32, #tpu.memory_space<vmem>>, vector<1x50xf32>
      tpu.vector_store %arg8[%swap3A_47, %swap3A_48], %add3A_46 {strides = array<i32>} : memref<1x50xf32, #tpu.memory_space<vmem>>, vector<1x50xf32>,
      %get3A_50 = arith.constant 0 : index
      %get3A_51 = arith.constant 0 : index
      %get3A_52 = vector.load %arg9[%get3A_50, %get3A_51] : memref<1x50xf32, #tpu.memory_space<vmem>>, vector<1x50xf32>
      %add3A_53 = arith.addf %get3A_52, %broadcast_in_dim3A_29 : vector<1x50xf32>
      %swap3A_54 = arith.constant 0 : index
      %swap3A_55 = arith.constant 0 : index
      %swap3A_56 = vector.load %arg9[%swap3A_54, %swap3A_55] : memref<1x50xf32, #tpu.memory_space<vmem>>, vector<1x50xf32>
      tpu.vector_store %arg9[%swap3A_54, %swap3A_55], %add3A_53 {strides = array<i32>} : memref<1x50xf32, #tpu.memory_space<vmem>>, vector<1x50xf32>,
    } else {
    }
    return
  }
  func.func @transform_0(%arg0: i32) -> (i32, i32) {
    %c0_i32 = arith.constant 0 : i32
    %c0_i32_0 = arith.constant 0 : i32
    return %arg0, %c0_i32 : i32, i32
  }
  func.func @transform_1(%arg0: i32) -> (i32, i32) {
    %c0_i32 = arith.constant 0 : i32
    %c0_i32_0 = arith.constant 0 : i32
    %c0_i32_1 = arith.constant 0 : i32
    return %c0_i32, %c0_i32_0 : i32, i32
  }
  func.func @transform_2(%arg0: i32) -> (i32, i32) {
    %c0_i32 = arith.constant 0 : i32
    %c0_i32_0 = arith.constant 0 : i32
    %c0_i32_1 = arith.constant 0 : i32
    return %c0_i32, %c0_i32_0 : i32, i32
  }
  func.func @transform_3(%arg0: i32) -> (i32, i32) {
    %c0_i32 = arith.constant 0 : i32
    %c0_i32_0 = arith.constant 0 : i32
    %c0_i32_1 = arith.constant 0 : i32
    return %c0_i32, %c0_i32_0 : i32, i32
  }
  func.func @transform_4(%arg0: i32) -> (i32, i32) {
    %c0_i32 = arith.constant 0 : i32
    %c0_i32_0 = arith.constant 0 : i32
    return %arg0, %c0_i32 : i32, i32
  }
  func.func @transform_5(%arg0: i32) -> (i32, i32) {
    %c0_i32 = arith.constant 0 : i32
    %c0_i32_0 = arith.constant 0 : i32
    return %arg0, %c0_i32 : i32, i32
  }
  func.func @transform_6(%arg0: i32) -> (i32, i32) {
    %c0_i32 = arith.constant 0 : i32
    %c0_i32_0 = arith.constant 0 : i32
    %c0_i32_1 = arith.constant 0 : i32
    return %c0_i32, %c0_i32_0 : i32, i32
  }
  func.func @transform_7(%arg0: i32) -> (i32, i32) {
    %c0_i32 = arith.constant 0 : i32
    %c0_i32_0 = arith.constant 0 : i32
    %c0_i32_1 = arith.constant 0 : i32
    return %c0_i32, %c0_i32_0 : i32, i32
  }
  func.func @transform_8(%arg0: i32) -> (i32, i32) {
    %c0_i32 = arith.constant 0 : i32
    %c0_i32_0 = arith.constant 0 : i32
    %c0_i32_1 = arith.constant 0 : i32
    return %c0_i32, %c0_i32_0 : i32, i32
  }
}

module attributes {stable_mosaic.version = 14 : i64} {
  func.func @_post_body(%arg0: i32, %arg1: memref<1000x200xf32, #tpu.memory_space<vmem>>, %arg2: memref<2x1000x128xf32, #tpu.memory_space<vmem>>, %arg3: memref<1000x128xf32, #tpu.memory_space<vmem>>, %arg4: memref<1x128xf32, #tpu.memory_space<vmem>>, %arg5: memref<50x50xf32, #tpu.memory_space<vmem>>, %arg6: memref<1x50xf32, #tpu.memory_space<vmem>>, %arg7: memref<1x50xf32, #tpu.memory_space<vmem>>, %arg8: memref<50x128xf32, #tpu.memory_space<vmem>>, %arg9: memref<50x128xf32, #tpu.memory_space<vmem>>, %arg10: memref<128x128xf32, #tpu.memory_space<vmem>>, %arg11: memref<128x128xf32, #tpu.memory_space<vmem>>, %arg12: memref<1x128xf32, #tpu.memory_space<vmem>>, %arg13: memref<1x128xf32, #tpu.memory_space<vmem>>, %arg14: memref<1x128xf32, #tpu.memory_space<vmem>>, %arg15: memref<1000x128xf32, #tpu.memory_space<vmem>>) attributes {dimension_semantics = [#tpu.dimension_semantics<arbitrary>], iteration_bounds = array<i64: 10>, scalar_prefetch = 0 : i64, scratch_operands = 0 : i64, tpu.core_type = #tpu.core_type<tc>, window_params = [{transform_indices = @transform_0, window_bounds = array<i64: 1000, 200>}, {transform_indices = @transform_1, window_bounds = array<i64: 2, 1000, 128>}, {transform_indices = @transform_2, window_bounds = array<i64: 1000, 128>}, {pipeline_mode = #tpu.pipeline_mode<synchronous>, transform_indices = @transform_3, window_bounds = array<i64: 1, 128>}, {pipeline_mode = #tpu.pipeline_mode<synchronous>, transform_indices = @transform_4, window_bounds = array<i64: 50, 50>}, {pipeline_mode = #tpu.pipeline_mode<synchronous>, transform_indices = @transform_5, window_bounds = array<i64: 1, 50>}, {pipeline_mode = #tpu.pipeline_mode<synchronous>, transform_indices = @transform_6, window_bounds = array<i64: 1, 50>}, {pipeline_mode = #tpu.pipeline_mode<synchronous>, transform_indices = @transform_7, window_bounds = array<i64: 50, 128>}, {pipeline_mode = #tpu.pipeline_mode<synchronous>, transform_indices = @transform_8, window_bounds = array<i64: 50, 128>}, {pipeline_mode = #tpu.pipeline_mode<synchronous>, transform_indices = @transform_9, window_bounds = array<i64: 128, 128>}, {pipeline_mode = #tpu.pipeline_mode<synchronous>, transform_indices = @transform_10, window_bounds = array<i64: 128, 128>}, {pipeline_mode = #tpu.pipeline_mode<synchronous>, transform_indices = @transform_11, window_bounds = array<i64: 1, 128>}, {pipeline_mode = #tpu.pipeline_mode<synchronous>, transform_indices = @transform_12, window_bounds = array<i64: 1, 128>}, {pipeline_mode = #tpu.pipeline_mode<synchronous>, transform_indices = @transform_13, window_bounds = array<i64: 1, 128>}, {transform_indices = @transform_14, window_bounds = array<i64: 1000, 128>}]} {
    %get3A = arith.constant 0 : index
    %get3A_0 = arith.constant 0 : index
    %get3A_1 = vector.load %arg1[%get3A, %get3A_0] : memref<1000x200xf32, #tpu.memory_space<vmem>>, vector<1000x200xf32>
    %slice3A = vector.extract_strided_slice %get3A_1 {offsets = [0, 0], sizes = [1000, 50], strides = [1, 1]} : vector<1000x200xf32> to vector<1000x50xf32>
    %slice3A_2 = vector.extract_strided_slice %get3A_1 {offsets = [0, 150], sizes = [1000, 50], strides = [1, 1]} : vector<1000x200xf32> to vector<1000x50xf32>
    %get3A_3 = arith.constant 0 : index
    %get3A_4 = arith.constant 0 : index
    %get3A_5 = arith.constant 0 : index
    %get3A_6 = vector.load %arg2[%get3A_3, %get3A_4, %get3A_5] : memref<2x1000x128xf32, #tpu.memory_space<vmem>>, vector<1x1000x128xf32>
    %get3A_7 = vector.shape_cast %get3A_6 : vector<1x1000x128xf32> to vector<1000x128xf32>
    %get3A_8 = arith.constant 1 : index
    %get3A_9 = arith.constant 0 : index
    %get3A_10 = arith.constant 0 : index
    %get3A_11 = vector.load %arg2[%get3A_8, %get3A_9, %get3A_10] : memref<2x1000x128xf32, #tpu.memory_space<vmem>>, vector<1x1000x128xf32>
    %get3A_12 = vector.shape_cast %get3A_11 : vector<1x1000x128xf32> to vector<1000x128xf32>
    %add3A = arith.addf %get3A_7, %get3A_12 : vector<1000x128xf32>
    %get3A_13 = arith.constant 0 : index
    %get3A_14 = arith.constant 0 : index
    %get3A_15 = vector.load %arg4[%get3A_13, %get3A_14] : memref<1x128xf32, #tpu.memory_space<vmem>>, vector<1x128xf32>
    %add3A_16 = vector.broadcast %get3A_15 : vector<1x128xf32> to vector<1000x128xf32>
    %add3A_17 = arith.addf %add3A, %add3A_16 : vector<1000x128xf32>
    %max3A = arith.constant 0.000000e+00 : f32
    %max3A_18 = vector.broadcast %max3A : f32 to vector<1000x128xf32>
    %max3A_19 = arith.maximumf %add3A_17, %max3A_18 : vector<1000x128xf32>
    %get3A_20 = arith.constant 0 : index
    %get3A_21 = arith.constant 0 : index
    %get3A_22 = vector.load %arg5[%get3A_20, %get3A_21] : memref<50x50xf32, #tpu.memory_space<vmem>>, vector<50x50xf32>
    %dot_general3A = arith.constant dense<0.000000e+00> : vector<1000x50xf32>
    %dot_general3A_23 = tpu.matmul %slice3A, %get3A_22, %dot_general3A {dimension_numbers = #tpu.dot_dimension_numbers<[1], [0], [0], [1], [0, 0, 1, 1], [], []>, transpose_lhs_hint = false} : vector<1000x50xf32>, vector<50x50xf32>, vector<1000x50xf32> -> vector<1000x50xf32>
    %get3A_24 = arith.constant 0 : index
    %get3A_25 = arith.constant 0 : index
    %get3A_26 = vector.load %arg6[%get3A_24, %get3A_25] : memref<1x50xf32, #tpu.memory_space<vmem>>, vector<1x50xf32>
    %get3A_27 = arith.constant 0 : index
    %get3A_28 = arith.constant 0 : index
    %get3A_29 = vector.load %arg7[%get3A_27, %get3A_28] : memref<1x50xf32, #tpu.memory_space<vmem>>, vector<1x50xf32>
    %mul3A = arith.mulf %get3A_26, %get3A_29 : vector<1x50xf32>
    %reduce_sum3A = vector.shape_cast %mul3A : vector<1x50xf32> to vector<1x1x50xf32>
    %reduce_sum3A_30 = arith.constant dense<0.000000e+00> : vector<1xf32>
    %reduce_sum3A_31 = vector.multi_reduction <add>, %reduce_sum3A, %reduce_sum3A_30 [1, 2] : vector<1x1x50xf32> to vector<1xf32>
    %reduce_sum3A_32 = vector.shape_cast %reduce_sum3A_31 : vector<1xf32> to vector<1x1x1xf32>
    %reduce_sum3A_33 = vector.extract %reduce_sum3A_32[0, 0, 0] : f32 from vector<1x1x1xf32>
    %div3A = arith.constant 1.000000e+04 : f32
    %div3A_34 = arith.divf %reduce_sum3A_33, %div3A : f32
    %add3A_35 = arith.constant 9.99999997E-7 : f32
    %add3A_36 = arith.addf %div3A_34, %add3A_35 : f32
    %div3A_37 = arith.constant 1.000000e+00 : f32
    %div3A_38 = arith.divf %div3A_37, %add3A_36 : f32
    %mul3A_39 = vector.broadcast %div3A_38 : f32 to vector<1000x50xf32>
    %mul3A_40 = arith.mulf %dot_general3A_23, %mul3A_39 : vector<1000x50xf32>
    %get3A_41 = arith.constant 0 : index
    %get3A_42 = arith.constant 0 : index
    %get3A_43 = vector.load %arg8[%get3A_41, %get3A_42] : memref<50x128xf32, #tpu.memory_space<vmem>>, vector<50x128xf32>
    %dot_general3A_44 = arith.constant dense<0.000000e+00> : vector<1000x128xf32>
    %dot_general3A_45 = tpu.matmul %mul3A_40, %get3A_43, %dot_general3A_44 {dimension_numbers = #tpu.dot_dimension_numbers<[1], [0], [0], [1], [0, 0, 1, 1], [], []>, transpose_lhs_hint = false} : vector<1000x50xf32>, vector<50x128xf32>, vector<1000x128xf32> -> vector<1000x128xf32>
    %get3A_46 = arith.constant 0 : index
    %get3A_47 = arith.constant 0 : index
    %get3A_48 = vector.load %arg9[%get3A_46, %get3A_47] : memref<50x128xf32, #tpu.memory_space<vmem>>, vector<50x128xf32>
    %dot_general3A_49 = arith.constant dense<0.000000e+00> : vector<1000x128xf32>
    %dot_general3A_50 = tpu.matmul %slice3A_2, %get3A_48, %dot_general3A_49 {dimension_numbers = #tpu.dot_dimension_numbers<[1], [0], [0], [1], [0, 0, 1, 1], [], []>, transpose_lhs_hint = false} : vector<1000x50xf32>, vector<50x128xf32>, vector<1000x128xf32> -> vector<1000x128xf32>
    %add3A_51 = arith.addf %dot_general3A_45, %dot_general3A_50 : vector<1000x128xf32>
    %get3A_52 = arith.constant 0 : index
    %get3A_53 = arith.constant 0 : index
    %get3A_54 = vector.load %arg10[%get3A_52, %get3A_53] : memref<128x128xf32, #tpu.memory_space<vmem>>, vector<128x128xf32>
    %dot_general3A_55 = arith.constant dense<0.000000e+00> : vector<1000x128xf32>
    %dot_general3A_56 = tpu.matmul %max3A_19, %get3A_54, %dot_general3A_55 {dimension_numbers = #tpu.dot_dimension_numbers<[1], [0], [0], [1], [0, 0, 1, 1], [], []>, transpose_lhs_hint = false} : vector<1000x128xf32>, vector<128x128xf32>, vector<1000x128xf32> -> vector<1000x128xf32>
    %add3A_57 = arith.addf %add3A_51, %dot_general3A_56 : vector<1000x128xf32>
    %get3A_58 = arith.constant 0 : index
    %get3A_59 = arith.constant 0 : index
    %get3A_60 = vector.load %arg3[%get3A_58, %get3A_59] : memref<1000x128xf32, #tpu.memory_space<vmem>>, vector<1000x128xf32>
    %get3A_61 = arith.constant 0 : index
    %get3A_62 = arith.constant 0 : index
    %get3A_63 = vector.load %arg11[%get3A_61, %get3A_62] : memref<128x128xf32, #tpu.memory_space<vmem>>, vector<128x128xf32>
    %dot_general3A_64 = arith.constant dense<0.000000e+00> : vector<1000x128xf32>
    %dot_general3A_65 = tpu.matmul %get3A_60, %get3A_63, %dot_general3A_64 {dimension_numbers = #tpu.dot_dimension_numbers<[1], [0], [0], [1], [0, 0, 1, 1], [], []>, transpose_lhs_hint = false} : vector<1000x128xf32>, vector<128x128xf32>, vector<1000x128xf32> -> vector<1000x128xf32>
    %add3A_66 = arith.addf %add3A_57, %dot_general3A_65 : vector<1000x128xf32>
    %get3A_67 = arith.constant 0 : index
    %get3A_68 = arith.constant 0 : index
    %get3A_69 = vector.load %arg12[%get3A_67, %get3A_68] : memref<1x128xf32, #tpu.memory_space<vmem>>, vector<1x128xf32>
    %add3A_70 = vector.broadcast %get3A_69 : vector<1x128xf32> to vector<1000x128xf32>
    %add3A_71 = arith.addf %add3A_66, %add3A_70 : vector<1000x128xf32>
    %max3A_72 = arith.constant 0.000000e+00 : f32
    %max3A_73 = vector.broadcast %max3A_72 : f32 to vector<1000x128xf32>
    %max3A_74 = arith.maximumf %add3A_71, %max3A_73 : vector<1000x128xf32>
    %get3A_75 = arith.constant 0 : index
    %get3A_76 = arith.constant 0 : index
    %get3A_77 = vector.load %arg13[%get3A_75, %get3A_76] : memref<1x128xf32, #tpu.memory_space<vmem>>, vector<1x128xf32>
    %mul3A_78 = vector.broadcast %get3A_77 : vector<1x128xf32> to vector<1000x128xf32>
    %mul3A_79 = arith.mulf %max3A_74, %mul3A_78 : vector<1000x128xf32>
    %get3A_80 = arith.constant 0 : index
    %get3A_81 = arith.constant 0 : index
    %get3A_82 = vector.load %arg14[%get3A_80, %get3A_81] : memref<1x128xf32, #tpu.memory_space<vmem>>, vector<1x128xf32>
    %add3A_83 = vector.broadcast %get3A_82 : vector<1x128xf32> to vector<1000x128xf32>
    %add3A_84 = arith.addf %mul3A_79, %add3A_83 : vector<1000x128xf32>
    %swap3A = arith.constant 0 : index
    %swap3A_85 = arith.constant 0 : index
    %swap3A_86 = vector.load %arg15[%swap3A, %swap3A_85] : memref<1000x128xf32, #tpu.memory_space<vmem>>, vector<1000x128xf32>
    tpu.vector_store %arg15[%swap3A, %swap3A_85], %add3A_84 {strides = array<i32>} : memref<1000x128xf32, #tpu.memory_space<vmem>>, vector<1000x128xf32>,
    return
  }
  func.func @transform_0(%arg0: i32) -> (i32, i32) {
    %c0_i32 = arith.constant 0 : i32
    %c0_i32_0 = arith.constant 0 : i32
    return %arg0, %c0_i32 : i32, i32
  }
  func.func @transform_1(%arg0: i32) -> (i32, i32, i32) {
    %c0_i32 = arith.constant 0 : i32
    %c0_i32_0 = arith.constant 0 : i32
    %c0_i32_1 = arith.constant 0 : i32
    return %c0_i32, %arg0, %c0_i32_0 : i32, i32, i32
  }
  func.func @transform_2(%arg0: i32) -> (i32, i32) {
    %c0_i32 = arith.constant 0 : i32
    %c0_i32_0 = arith.constant 0 : i32
    return %arg0, %c0_i32 : i32, i32
  }
  func.func @transform_3(%arg0: i32) -> (i32, i32) {
    %c0_i32 = arith.constant 0 : i32
    %c0_i32_0 = arith.constant 0 : i32
    %c0_i32_1 = arith.constant 0 : i32
    return %c0_i32, %c0_i32_0 : i32, i32
  }
  func.func @transform_4(%arg0: i32) -> (i32, i32) {
    %c0_i32 = arith.constant 0 : i32
    %c0_i32_0 = arith.constant 0 : i32
    %c0_i32_1 = arith.constant 0 : i32
    return %c0_i32, %c0_i32_0 : i32, i32
  }
  func.func @transform_5(%arg0: i32) -> (i32, i32) {
    %c0_i32 = arith.constant 0 : i32
    %c0_i32_0 = arith.constant 0 : i32
    %c0_i32_1 = arith.constant 0 : i32
    return %c0_i32, %c0_i32_0 : i32, i32
  }
  func.func @transform_6(%arg0: i32) -> (i32, i32) {
    %c0_i32 = arith.constant 0 : i32
    %c0_i32_0 = arith.constant 0 : i32
    %c0_i32_1 = arith.constant 0 : i32
    return %c0_i32, %c0_i32_0 : i32, i32
  }
  func.func @transform_7(%arg0: i32) -> (i32, i32) {
    %c0_i32 = arith.constant 0 : i32
    %c0_i32_0 = arith.constant 0 : i32
    %c0_i32_1 = arith.constant 0 : i32
    return %c0_i32, %c0_i32_0 : i32, i32
  }
  func.func @transform_8(%arg0: i32) -> (i32, i32) {
    %c0_i32 = arith.constant 0 : i32
    %c0_i32_0 = arith.constant 0 : i32
    %c0_i32_1 = arith.constant 0 : i32
    return %c0_i32, %c0_i32_0 : i32, i32
  }
  func.func @transform_9(%arg0: i32) -> (i32, i32) {
    %c0_i32 = arith.constant 0 : i32
    %c0_i32_0 = arith.constant 0 : i32
    %c0_i32_1 = arith.constant 0 : i32
    return %c0_i32, %c0_i32_0 : i32, i32
  }
  func.func @transform_10(%arg0: i32) -> (i32, i32) {
    %c0_i32 = arith.constant 0 : i32
    %c0_i32_0 = arith.constant 0 : i32
    %c0_i32_1 = arith.constant 0 : i32
    return %c0_i32, %c0_i32_0 : i32, i32
  }
  func.func @transform_11(%arg0: i32) -> (i32, i32) {
    %c0_i32 = arith.constant 0 : i32
    %c0_i32_0 = arith.constant 0 : i32
    %c0_i32_1 = arith.constant 0 : i32
    return %c0_i32, %c0_i32_0 : i32, i32
  }
  func.func @transform_12(%arg0: i32) -> (i32, i32) {
    %c0_i32 = arith.constant 0 : i32
    %c0_i32_0 = arith.constant 0 : i32
    %c0_i32_1 = arith.constant 0 : i32
    return %c0_i32, %c0_i32_0 : i32, i32
  }
  func.func @transform_13(%arg0: i32) -> (i32, i32) {
    %c0_i32 = arith.constant 0 : i32
    %c0_i32_0 = arith.constant 0 : i32
    %c0_i32_1 = arith.constant 0 : i32
    return %c0_i32, %c0_i32_0 : i32, i32
  }
  func.func @transform_14(%arg0: i32) -> (i32, i32) {
    %c0_i32 = arith.constant 0 : i32
    %c0_i32_0 = arith.constant 0 : i32
    return %arg0, %c0_i32 : i32, i32
  }
}

module attributes {stable_mosaic.version = 14 : i64} {
  func.func @_post_body(%arg0: i32, %arg1: memref<1000x200xf32, #tpu.memory_space<vmem>>, %arg2: memref<2x1000x128xf32, #tpu.memory_space<vmem>>, %arg3: memref<1000x128xf32, #tpu.memory_space<vmem>>, %arg4: memref<1x128xf32, #tpu.memory_space<vmem>>, %arg5: memref<50x50xf32, #tpu.memory_space<vmem>>, %arg6: memref<1x50xf32, #tpu.memory_space<vmem>>, %arg7: memref<1x50xf32, #tpu.memory_space<vmem>>, %arg8: memref<50x128xf32, #tpu.memory_space<vmem>>, %arg9: memref<50x128xf32, #tpu.memory_space<vmem>>, %arg10: memref<128x128xf32, #tpu.memory_space<vmem>>, %arg11: memref<128x128xf32, #tpu.memory_space<vmem>>, %arg12: memref<1x128xf32, #tpu.memory_space<vmem>>, %arg13: memref<1x128xf32, #tpu.memory_space<vmem>>, %arg14: memref<1x128xf32, #tpu.memory_space<vmem>>, %arg15: memref<1000x128xf32, #tpu.memory_space<vmem>>) attributes {dimension_semantics = [#tpu.dimension_semantics<arbitrary>], iteration_bounds = array<i64: 10>, scalar_prefetch = 0 : i64, scratch_operands = 0 : i64, tpu.core_type = #tpu.core_type<tc>, window_params = [{transform_indices = @transform_0, window_bounds = array<i64: 1000, 200>}, {transform_indices = @transform_1, window_bounds = array<i64: 2, 1000, 128>}, {transform_indices = @transform_2, window_bounds = array<i64: 1000, 128>}, {pipeline_mode = #tpu.pipeline_mode<synchronous>, transform_indices = @transform_3, window_bounds = array<i64: 1, 128>}, {pipeline_mode = #tpu.pipeline_mode<synchronous>, transform_indices = @transform_4, window_bounds = array<i64: 50, 50>}, {pipeline_mode = #tpu.pipeline_mode<synchronous>, transform_indices = @transform_5, window_bounds = array<i64: 1, 50>}, {pipeline_mode = #tpu.pipeline_mode<synchronous>, transform_indices = @transform_6, window_bounds = array<i64: 1, 50>}, {pipeline_mode = #tpu.pipeline_mode<synchronous>, transform_indices = @transform_7, window_bounds = array<i64: 50, 128>}, {pipeline_mode = #tpu.pipeline_mode<synchronous>, transform_indices = @transform_8, window_bounds = array<i64: 50, 128>}, {pipeline_mode = #tpu.pipeline_mode<synchronous>, transform_indices = @transform_9, window_bounds = array<i64: 128, 128>}, {pipeline_mode = #tpu.pipeline_mode<synchronous>, transform_indices = @transform_10, window_bounds = array<i64: 128, 128>}, {pipeline_mode = #tpu.pipeline_mode<synchronous>, transform_indices = @transform_11, window_bounds = array<i64: 1, 128>}, {pipeline_mode = #tpu.pipeline_mode<synchronous>, transform_indices = @transform_12, window_bounds = array<i64: 1, 128>}, {pipeline_mode = #tpu.pipeline_mode<synchronous>, transform_indices = @transform_13, window_bounds = array<i64: 1, 128>}, {transform_indices = @transform_14, window_bounds = array<i64: 1000, 128>}]} {
    %get3A = arith.constant 0 : index
    %get3A_0 = arith.constant 0 : index
    %get3A_1 = vector.load %arg1[%get3A, %get3A_0] : memref<1000x200xf32, #tpu.memory_space<vmem>>, vector<1000x200xf32>
    %slice3A = vector.extract_strided_slice %get3A_1 {offsets = [0, 0], sizes = [1000, 50], strides = [1, 1]} : vector<1000x200xf32> to vector<1000x50xf32>
    %slice3A_2 = vector.extract_strided_slice %get3A_1 {offsets = [0, 150], sizes = [1000, 50], strides = [1, 1]} : vector<1000x200xf32> to vector<1000x50xf32>
    %get3A_3 = arith.constant 0 : index
    %get3A_4 = arith.constant 0 : index
    %get3A_5 = arith.constant 0 : index
    %get3A_6 = vector.load %arg2[%get3A_3, %get3A_4, %get3A_5] : memref<2x1000x128xf32, #tpu.memory_space<vmem>>, vector<1x1000x128xf32>
    %get3A_7 = vector.shape_cast %get3A_6 : vector<1x1000x128xf32> to vector<1000x128xf32>
    %get3A_8 = arith.constant 1 : index
    %get3A_9 = arith.constant 0 : index
    %get3A_10 = arith.constant 0 : index
    %get3A_11 = vector.load %arg2[%get3A_8, %get3A_9, %get3A_10] : memref<2x1000x128xf32, #tpu.memory_space<vmem>>, vector<1x1000x128xf32>
    %get3A_12 = vector.shape_cast %get3A_11 : vector<1x1000x128xf32> to vector<1000x128xf32>
    %add3A = arith.addf %get3A_7, %get3A_12 : vector<1000x128xf32>
    %get3A_13 = arith.constant 0 : index
    %get3A_14 = arith.constant 0 : index
    %get3A_15 = vector.load %arg4[%get3A_13, %get3A_14] : memref<1x128xf32, #tpu.memory_space<vmem>>, vector<1x128xf32>
    %add3A_16 = vector.broadcast %get3A_15 : vector<1x128xf32> to vector<1000x128xf32>
    %add3A_17 = arith.addf %add3A, %add3A_16 : vector<1000x128xf32>
    %max3A = arith.constant 0.000000e+00 : f32
    %max3A_18 = vector.broadcast %max3A : f32 to vector<1000x128xf32>
    %max3A_19 = arith.maximumf %add3A_17, %max3A_18 : vector<1000x128xf32>
    %get3A_20 = arith.constant 0 : index
    %get3A_21 = arith.constant 0 : index
    %get3A_22 = vector.load %arg5[%get3A_20, %get3A_21] : memref<50x50xf32, #tpu.memory_space<vmem>>, vector<50x50xf32>
    %dot_general3A = arith.constant dense<0.000000e+00> : vector<1000x50xf32>
    %dot_general3A_23 = tpu.matmul %slice3A, %get3A_22, %dot_general3A {dimension_numbers = #tpu.dot_dimension_numbers<[1], [0], [0], [1], [0, 0, 1, 1], [], []>, transpose_lhs_hint = false} : vector<1000x50xf32>, vector<50x50xf32>, vector<1000x50xf32> -> vector<1000x50xf32>
    %get3A_24 = arith.constant 0 : index
    %get3A_25 = arith.constant 0 : index
    %get3A_26 = vector.load %arg6[%get3A_24, %get3A_25] : memref<1x50xf32, #tpu.memory_space<vmem>>, vector<1x50xf32>
    %get3A_27 = arith.constant 0 : index
    %get3A_28 = arith.constant 0 : index
    %get3A_29 = vector.load %arg7[%get3A_27, %get3A_28] : memref<1x50xf32, #tpu.memory_space<vmem>>, vector<1x50xf32>
    %mul3A = arith.mulf %get3A_26, %get3A_29 : vector<1x50xf32>
    %reduce_sum3A = vector.shape_cast %mul3A : vector<1x50xf32> to vector<1x1x50xf32>
    %reduce_sum3A_30 = arith.constant dense<0.000000e+00> : vector<1xf32>
    %reduce_sum3A_31 = vector.multi_reduction <add>, %reduce_sum3A, %reduce_sum3A_30 [1, 2] : vector<1x1x50xf32> to vector<1xf32>
    %reduce_sum3A_32 = vector.shape_cast %reduce_sum3A_31 : vector<1xf32> to vector<1x1x1xf32>
    %reduce_sum3A_33 = vector.extract %reduce_sum3A_32[0, 0, 0] : f32 from vector<1x1x1xf32>
    %div3A = arith.constant 1.000000e+04 : f32
    %div3A_34 = arith.divf %reduce_sum3A_33, %div3A : f32
    %add3A_35 = arith.constant 9.99999997E-7 : f32
    %add3A_36 = arith.addf %div3A_34, %add3A_35 : f32
    %div3A_37 = arith.constant 1.000000e+00 : f32
    %div3A_38 = arith.divf %div3A_37, %add3A_36 : f32
    %mul3A_39 = vector.broadcast %div3A_38 : f32 to vector<1000x50xf32>
    %mul3A_40 = arith.mulf %dot_general3A_23, %mul3A_39 : vector<1000x50xf32>
    %get3A_41 = arith.constant 0 : index
    %get3A_42 = arith.constant 0 : index
    %get3A_43 = vector.load %arg8[%get3A_41, %get3A_42] : memref<50x128xf32, #tpu.memory_space<vmem>>, vector<50x128xf32>
    %dot_general3A_44 = arith.constant dense<0.000000e+00> : vector<1000x128xf32>
    %dot_general3A_45 = tpu.matmul %mul3A_40, %get3A_43, %dot_general3A_44 {dimension_numbers = #tpu.dot_dimension_numbers<[1], [0], [0], [1], [0, 0, 1, 1], [], []>, transpose_lhs_hint = false} : vector<1000x50xf32>, vector<50x128xf32>, vector<1000x128xf32> -> vector<1000x128xf32>
    %get3A_46 = arith.constant 0 : index
    %get3A_47 = arith.constant 0 : index
    %get3A_48 = vector.load %arg9[%get3A_46, %get3A_47] : memref<50x128xf32, #tpu.memory_space<vmem>>, vector<50x128xf32>
    %dot_general3A_49 = arith.constant dense<0.000000e+00> : vector<1000x128xf32>
    %dot_general3A_50 = tpu.matmul %slice3A_2, %get3A_48, %dot_general3A_49 {dimension_numbers = #tpu.dot_dimension_numbers<[1], [0], [0], [1], [0, 0, 1, 1], [], []>, transpose_lhs_hint = false} : vector<1000x50xf32>, vector<50x128xf32>, vector<1000x128xf32> -> vector<1000x128xf32>
    %add3A_51 = arith.addf %dot_general3A_45, %dot_general3A_50 : vector<1000x128xf32>
    %get3A_52 = arith.constant 0 : index
    %get3A_53 = arith.constant 0 : index
    %get3A_54 = vector.load %arg10[%get3A_52, %get3A_53] : memref<128x128xf32, #tpu.memory_space<vmem>>, vector<128x128xf32>
    %dot_general3A_55 = arith.constant dense<0.000000e+00> : vector<1000x128xf32>
    %dot_general3A_56 = tpu.matmul %max3A_19, %get3A_54, %dot_general3A_55 {dimension_numbers = #tpu.dot_dimension_numbers<[1], [0], [0], [1], [0, 0, 1, 1], [], []>, transpose_lhs_hint = false} : vector<1000x128xf32>, vector<128x128xf32>, vector<1000x128xf32> -> vector<1000x128xf32>
    %add3A_57 = arith.addf %add3A_51, %dot_general3A_56 : vector<1000x128xf32>
    %get3A_58 = arith.constant 0 : index
    %get3A_59 = arith.constant 0 : index
    %get3A_60 = vector.load %arg3[%get3A_58, %get3A_59] : memref<1000x128xf32, #tpu.memory_space<vmem>>, vector<1000x128xf32>
    %get3A_61 = arith.constant 0 : index
    %get3A_62 = arith.constant 0 : index
    %get3A_63 = vector.load %arg11[%get3A_61, %get3A_62] : memref<128x128xf32, #tpu.memory_space<vmem>>, vector<128x128xf32>
    %dot_general3A_64 = arith.constant dense<0.000000e+00> : vector<1000x128xf32>
    %dot_general3A_65 = tpu.matmul %get3A_60, %get3A_63, %dot_general3A_64 {dimension_numbers = #tpu.dot_dimension_numbers<[1], [0], [0], [1], [0, 0, 1, 1], [], []>, transpose_lhs_hint = false} : vector<1000x128xf32>, vector<128x128xf32>, vector<1000x128xf32> -> vector<1000x128xf32>
    %add3A_66 = arith.addf %add3A_57, %dot_general3A_65 : vector<1000x128xf32>
    %get3A_67 = arith.constant 0 : index
    %get3A_68 = arith.constant 0 : index
    %get3A_69 = vector.load %arg12[%get3A_67, %get3A_68] : memref<1x128xf32, #tpu.memory_space<vmem>>, vector<1x128xf32>
    %add3A_70 = vector.broadcast %get3A_69 : vector<1x128xf32> to vector<1000x128xf32>
    %add3A_71 = arith.addf %add3A_66, %add3A_70 : vector<1000x128xf32>
    %max3A_72 = arith.constant 0.000000e+00 : f32
    %max3A_73 = vector.broadcast %max3A_72 : f32 to vector<1000x128xf32>
    %max3A_74 = arith.maximumf %add3A_71, %max3A_73 : vector<1000x128xf32>
    %max3A_75 = arith.constant 0.000000e+00 : f32
    %max3A_76 = vector.broadcast %max3A_75 : f32 to vector<1000x128xf32>
    %max3A_77 = arith.maximumf %max3A_74, %max3A_76 : vector<1000x128xf32>
    %get3A_78 = arith.constant 0 : index
    %get3A_79 = arith.constant 0 : index
    %get3A_80 = vector.load %arg13[%get3A_78, %get3A_79] : memref<1x128xf32, #tpu.memory_space<vmem>>, vector<1x128xf32>
    %mul3A_81 = vector.broadcast %get3A_80 : vector<1x128xf32> to vector<1000x128xf32>
    %mul3A_82 = arith.mulf %max3A_77, %mul3A_81 : vector<1000x128xf32>
    %get3A_83 = arith.constant 0 : index
    %get3A_84 = arith.constant 0 : index
    %get3A_85 = vector.load %arg14[%get3A_83, %get3A_84] : memref<1x128xf32, #tpu.memory_space<vmem>>, vector<1x128xf32>
    %add3A_86 = vector.broadcast %get3A_85 : vector<1x128xf32> to vector<1000x128xf32>
    %add3A_87 = arith.addf %mul3A_82, %add3A_86 : vector<1000x128xf32>
    %swap3A = arith.constant 0 : index
    %swap3A_88 = arith.constant 0 : index
    %swap3A_89 = vector.load %arg15[%swap3A, %swap3A_88] : memref<1000x128xf32, #tpu.memory_space<vmem>>, vector<1000x128xf32>
    tpu.vector_store %arg15[%swap3A, %swap3A_88], %add3A_87 {strides = array<i32>} : memref<1000x128xf32, #tpu.memory_space<vmem>>, vector<1000x128xf32>,
    return
  }
  func.func @transform_0(%arg0: i32) -> (i32, i32) {
    %c0_i32 = arith.constant 0 : i32
    %c0_i32_0 = arith.constant 0 : i32
    return %arg0, %c0_i32 : i32, i32
  }
  func.func @transform_1(%arg0: i32) -> (i32, i32, i32) {
    %c0_i32 = arith.constant 0 : i32
    %c0_i32_0 = arith.constant 0 : i32
    %c0_i32_1 = arith.constant 0 : i32
    return %c0_i32, %arg0, %c0_i32_0 : i32, i32, i32
  }
  func.func @transform_2(%arg0: i32) -> (i32, i32) {
    %c0_i32 = arith.constant 0 : i32
    %c0_i32_0 = arith.constant 0 : i32
    return %arg0, %c0_i32 : i32, i32
  }
  func.func @transform_3(%arg0: i32) -> (i32, i32) {
    %c0_i32 = arith.constant 0 : i32
    %c0_i32_0 = arith.constant 0 : i32
    %c0_i32_1 = arith.constant 0 : i32
    return %c0_i32, %c0_i32_0 : i32, i32
  }
  func.func @transform_4(%arg0: i32) -> (i32, i32) {
    %c0_i32 = arith.constant 0 : i32
    %c0_i32_0 = arith.constant 0 : i32
    %c0_i32_1 = arith.constant 0 : i32
    return %c0_i32, %c0_i32_0 : i32, i32
  }
  func.func @transform_5(%arg0: i32) -> (i32, i32) {
    %c0_i32 = arith.constant 0 : i32
    %c0_i32_0 = arith.constant 0 : i32
    %c0_i32_1 = arith.constant 0 : i32
    return %c0_i32, %c0_i32_0 : i32, i32
  }
  func.func @transform_6(%arg0: i32) -> (i32, i32) {
    %c0_i32 = arith.constant 0 : i32
    %c0_i32_0 = arith.constant 0 : i32
    %c0_i32_1 = arith.constant 0 : i32
    return %c0_i32, %c0_i32_0 : i32, i32
  }
  func.func @transform_7(%arg0: i32) -> (i32, i32) {
    %c0_i32 = arith.constant 0 : i32
    %c0_i32_0 = arith.constant 0 : i32
    %c0_i32_1 = arith.constant 0 : i32
    return %c0_i32, %c0_i32_0 : i32, i32
  }
  func.func @transform_8(%arg0: i32) -> (i32, i32) {
    %c0_i32 = arith.constant 0 : i32
    %c0_i32_0 = arith.constant 0 : i32
    %c0_i32_1 = arith.constant 0 : i32
    return %c0_i32, %c0_i32_0 : i32, i32
  }
  func.func @transform_9(%arg0: i32) -> (i32, i32) {
    %c0_i32 = arith.constant 0 : i32
    %c0_i32_0 = arith.constant 0 : i32
    %c0_i32_1 = arith.constant 0 : i32
    return %c0_i32, %c0_i32_0 : i32, i32
  }
  func.func @transform_10(%arg0: i32) -> (i32, i32) {
    %c0_i32 = arith.constant 0 : i32
    %c0_i32_0 = arith.constant 0 : i32
    %c0_i32_1 = arith.constant 0 : i32
    return %c0_i32, %c0_i32_0 : i32, i32
  }
  func.func @transform_11(%arg0: i32) -> (i32, i32) {
    %c0_i32 = arith.constant 0 : i32
    %c0_i32_0 = arith.constant 0 : i32
    %c0_i32_1 = arith.constant 0 : i32
    return %c0_i32, %c0_i32_0 : i32, i32
  }
  func.func @transform_12(%arg0: i32) -> (i32, i32) {
    %c0_i32 = arith.constant 0 : i32
    %c0_i32_0 = arith.constant 0 : i32
    %c0_i32_1 = arith.constant 0 : i32
    return %c0_i32, %c0_i32_0 : i32, i32
  }
  func.func @transform_13(%arg0: i32) -> (i32, i32) {
    %c0_i32 = arith.constant 0 : i32
    %c0_i32_0 = arith.constant 0 : i32
    %c0_i32_1 = arith.constant 0 : i32
    return %c0_i32, %c0_i32_0 : i32, i32
  }
  func.func @transform_14(%arg0: i32) -> (i32, i32) {
    %c0_i32 = arith.constant 0 : i32
    %c0_i32_0 = arith.constant 0 : i32
    return %arg0, %c0_i32 : i32, i32
  }
}

module attributes {stable_mosaic.version = 14 : i64} {
  func.func @_post_body(%arg0: i32, %arg1: memref<1000x200xf32, #tpu.memory_space<vmem>>, %arg2: memref<2x1000x128xf32, #tpu.memory_space<vmem>>, %arg3: memref<1000x128xf32, #tpu.memory_space<vmem>>, %arg4: memref<1x128xf32, #tpu.memory_space<vmem>>, %arg5: memref<50x50xf32, #tpu.memory_space<vmem>>, %arg6: memref<1x50xf32, #tpu.memory_space<vmem>>, %arg7: memref<1x50xf32, #tpu.memory_space<vmem>>, %arg8: memref<50x128xf32, #tpu.memory_space<vmem>>, %arg9: memref<50x128xf32, #tpu.memory_space<vmem>>, %arg10: memref<128x128xf32, #tpu.memory_space<vmem>>, %arg11: memref<128x128xf32, #tpu.memory_space<vmem>>, %arg12: memref<1x128xf32, #tpu.memory_space<vmem>>, %arg13: memref<1x128xf32, #tpu.memory_space<vmem>>, %arg14: memref<1x128xf32, #tpu.memory_space<vmem>>, %arg15: memref<1000x128xf32, #tpu.memory_space<vmem>>) attributes {dimension_semantics = [#tpu.dimension_semantics<arbitrary>], iteration_bounds = array<i64: 10>, scalar_prefetch = 0 : i64, scratch_operands = 0 : i64, tpu.core_type = #tpu.core_type<tc>, window_params = [{transform_indices = @transform_0, window_bounds = array<i64: 1000, 200>}, {transform_indices = @transform_1, window_bounds = array<i64: 2, 1000, 128>}, {transform_indices = @transform_2, window_bounds = array<i64: 1000, 128>}, {pipeline_mode = #tpu.pipeline_mode<synchronous>, transform_indices = @transform_3, window_bounds = array<i64: 1, 128>}, {pipeline_mode = #tpu.pipeline_mode<synchronous>, transform_indices = @transform_4, window_bounds = array<i64: 50, 50>}, {pipeline_mode = #tpu.pipeline_mode<synchronous>, transform_indices = @transform_5, window_bounds = array<i64: 1, 50>}, {pipeline_mode = #tpu.pipeline_mode<synchronous>, transform_indices = @transform_6, window_bounds = array<i64: 1, 50>}, {pipeline_mode = #tpu.pipeline_mode<synchronous>, transform_indices = @transform_7, window_bounds = array<i64: 50, 128>}, {pipeline_mode = #tpu.pipeline_mode<synchronous>, transform_indices = @transform_8, window_bounds = array<i64: 50, 128>}, {pipeline_mode = #tpu.pipeline_mode<synchronous>, transform_indices = @transform_9, window_bounds = array<i64: 128, 128>}, {pipeline_mode = #tpu.pipeline_mode<synchronous>, transform_indices = @transform_10, window_bounds = array<i64: 128, 128>}, {pipeline_mode = #tpu.pipeline_mode<synchronous>, transform_indices = @transform_11, window_bounds = array<i64: 1, 128>}, {pipeline_mode = #tpu.pipeline_mode<synchronous>, transform_indices = @transform_12, window_bounds = array<i64: 1, 128>}, {pipeline_mode = #tpu.pipeline_mode<synchronous>, transform_indices = @transform_13, window_bounds = array<i64: 1, 128>}, {transform_indices = @transform_14, window_bounds = array<i64: 1000, 128>}]} {
    %get3A = arith.constant 0 : index
    %get3A_0 = arith.constant 0 : index
    %get3A_1 = vector.load %arg1[%get3A, %get3A_0] : memref<1000x200xf32, #tpu.memory_space<vmem>>, vector<1000x200xf32>
    %slice3A = vector.extract_strided_slice %get3A_1 {offsets = [0, 0], sizes = [1000, 50], strides = [1, 1]} : vector<1000x200xf32> to vector<1000x50xf32>
    %slice3A_2 = vector.extract_strided_slice %get3A_1 {offsets = [0, 150], sizes = [1000, 50], strides = [1, 1]} : vector<1000x200xf32> to vector<1000x50xf32>
    %get3A_3 = arith.constant 0 : index
    %get3A_4 = arith.constant 0 : index
    %get3A_5 = arith.constant 0 : index
    %get3A_6 = vector.load %arg2[%get3A_3, %get3A_4, %get3A_5] : memref<2x1000x128xf32, #tpu.memory_space<vmem>>, vector<1x1000x128xf32>
    %get3A_7 = vector.shape_cast %get3A_6 : vector<1x1000x128xf32> to vector<1000x128xf32>
    %get3A_8 = arith.constant 1 : index
    %get3A_9 = arith.constant 0 : index
    %get3A_10 = arith.constant 0 : index
    %get3A_11 = vector.load %arg2[%get3A_8, %get3A_9, %get3A_10] : memref<2x1000x128xf32, #tpu.memory_space<vmem>>, vector<1x1000x128xf32>
    %get3A_12 = vector.shape_cast %get3A_11 : vector<1x1000x128xf32> to vector<1000x128xf32>
    %add3A = arith.addf %get3A_7, %get3A_12 : vector<1000x128xf32>
    %get3A_13 = arith.constant 0 : index
    %get3A_14 = arith.constant 0 : index
    %get3A_15 = vector.load %arg4[%get3A_13, %get3A_14] : memref<1x128xf32, #tpu.memory_space<vmem>>, vector<1x128xf32>
    %add3A_16 = vector.broadcast %get3A_15 : vector<1x128xf32> to vector<1000x128xf32>
    %add3A_17 = arith.addf %add3A, %add3A_16 : vector<1000x128xf32>
    %max3A = arith.constant 0.000000e+00 : f32
    %max3A_18 = vector.broadcast %max3A : f32 to vector<1000x128xf32>
    %max3A_19 = arith.maximumf %add3A_17, %max3A_18 : vector<1000x128xf32>
    %get3A_20 = arith.constant 0 : index
    %get3A_21 = arith.constant 0 : index
    %get3A_22 = vector.load %arg5[%get3A_20, %get3A_21] : memref<50x50xf32, #tpu.memory_space<vmem>>, vector<50x50xf32>
    %dot_general3A = arith.constant dense<0.000000e+00> : vector<1000x50xf32>
    %dot_general3A_23 = tpu.matmul %slice3A, %get3A_22, %dot_general3A {dimension_numbers = #tpu.dot_dimension_numbers<[1], [0], [0], [1], [0, 0, 1, 1], [], []>, transpose_lhs_hint = false} : vector<1000x50xf32>, vector<50x50xf32>, vector<1000x50xf32> -> vector<1000x50xf32>
    %get3A_24 = arith.constant 0 : index
    %get3A_25 = arith.constant 0 : index
    %get3A_26 = vector.load %arg6[%get3A_24, %get3A_25] : memref<1x50xf32, #tpu.memory_space<vmem>>, vector<1x50xf32>
    %get3A_27 = arith.constant 0 : index
    %get3A_28 = arith.constant 0 : index
    %get3A_29 = vector.load %arg7[%get3A_27, %get3A_28] : memref<1x50xf32, #tpu.memory_space<vmem>>, vector<1x50xf32>
    %mul3A = arith.mulf %get3A_26, %get3A_29 : vector<1x50xf32>
    %reduce_sum3A = vector.shape_cast %mul3A : vector<1x50xf32> to vector<1x1x50xf32>
    %reduce_sum3A_30 = arith.constant dense<0.000000e+00> : vector<1xf32>
    %reduce_sum3A_31 = vector.multi_reduction <add>, %reduce_sum3A, %reduce_sum3A_30 [1, 2] : vector<1x1x50xf32> to vector<1xf32>
    %reduce_sum3A_32 = vector.shape_cast %reduce_sum3A_31 : vector<1xf32> to vector<1x1x1xf32>
    %reduce_sum3A_33 = vector.extract %reduce_sum3A_32[0, 0, 0] : f32 from vector<1x1x1xf32>
    %div3A = arith.constant 1.000000e+04 : f32
    %div3A_34 = arith.divf %reduce_sum3A_33, %div3A : f32
    %add3A_35 = arith.constant 9.99999997E-7 : f32
    %add3A_36 = arith.addf %div3A_34, %add3A_35 : f32
    %div3A_37 = arith.constant 1.000000e+00 : f32
    %div3A_38 = arith.divf %div3A_37, %add3A_36 : f32
    %mul3A_39 = vector.broadcast %div3A_38 : f32 to vector<1000x50xf32>
    %mul3A_40 = arith.mulf %dot_general3A_23, %mul3A_39 : vector<1000x50xf32>
    %get3A_41 = arith.constant 0 : index
    %get3A_42 = arith.constant 0 : index
    %get3A_43 = vector.load %arg8[%get3A_41, %get3A_42] : memref<50x128xf32, #tpu.memory_space<vmem>>, vector<50x128xf32>
    %dot_general3A_44 = arith.constant dense<0.000000e+00> : vector<1000x128xf32>
    %dot_general3A_45 = tpu.matmul %mul3A_40, %get3A_43, %dot_general3A_44 {dimension_numbers = #tpu.dot_dimension_numbers<[1], [0], [0], [1], [0, 0, 1, 1], [], []>, transpose_lhs_hint = false} : vector<1000x50xf32>, vector<50x128xf32>, vector<1000x128xf32> -> vector<1000x128xf32>
    %get3A_46 = arith.constant 0 : index
    %get3A_47 = arith.constant 0 : index
    %get3A_48 = vector.load %arg9[%get3A_46, %get3A_47] : memref<50x128xf32, #tpu.memory_space<vmem>>, vector<50x128xf32>
    %dot_general3A_49 = arith.constant dense<0.000000e+00> : vector<1000x128xf32>
    %dot_general3A_50 = tpu.matmul %slice3A_2, %get3A_48, %dot_general3A_49 {dimension_numbers = #tpu.dot_dimension_numbers<[1], [0], [0], [1], [0, 0, 1, 1], [], []>, transpose_lhs_hint = false} : vector<1000x50xf32>, vector<50x128xf32>, vector<1000x128xf32> -> vector<1000x128xf32>
    %add3A_51 = arith.addf %dot_general3A_45, %dot_general3A_50 : vector<1000x128xf32>
    %get3A_52 = arith.constant 0 : index
    %get3A_53 = arith.constant 0 : index
    %get3A_54 = vector.load %arg10[%get3A_52, %get3A_53] : memref<128x128xf32, #tpu.memory_space<vmem>>, vector<128x128xf32>
    %dot_general3A_55 = arith.constant dense<0.000000e+00> : vector<1000x128xf32>
    %dot_general3A_56 = tpu.matmul %max3A_19, %get3A_54, %dot_general3A_55 {dimension_numbers = #tpu.dot_dimension_numbers<[1], [0], [0], [1], [0, 0, 1, 1], [], []>, transpose_lhs_hint = false} : vector<1000x128xf32>, vector<128x128xf32>, vector<1000x128xf32> -> vector<1000x128xf32>
    %add3A_57 = arith.addf %add3A_51, %dot_general3A_56 : vector<1000x128xf32>
    %get3A_58 = arith.constant 0 : index
    %get3A_59 = arith.constant 0 : index
    %get3A_60 = vector.load %arg3[%get3A_58, %get3A_59] : memref<1000x128xf32, #tpu.memory_space<vmem>>, vector<1000x128xf32>
    %get3A_61 = arith.constant 0 : index
    %get3A_62 = arith.constant 0 : index
    %get3A_63 = vector.load %arg11[%get3A_61, %get3A_62] : memref<128x128xf32, #tpu.memory_space<vmem>>, vector<128x128xf32>
    %dot_general3A_64 = arith.constant dense<0.000000e+00> : vector<1000x128xf32>
    %dot_general3A_65 = tpu.matmul %get3A_60, %get3A_63, %dot_general3A_64 {dimension_numbers = #tpu.dot_dimension_numbers<[1], [0], [0], [1], [0, 0, 1, 1], [], []>, transpose_lhs_hint = false} : vector<1000x128xf32>, vector<128x128xf32>, vector<1000x128xf32> -> vector<1000x128xf32>
    %add3A_66 = arith.addf %add3A_57, %dot_general3A_65 : vector<1000x128xf32>
    %get3A_67 = arith.constant 0 : index
    %get3A_68 = arith.constant 0 : index
    %get3A_69 = vector.load %arg12[%get3A_67, %get3A_68] : memref<1x128xf32, #tpu.memory_space<vmem>>, vector<1x128xf32>
    %add3A_70 = vector.broadcast %get3A_69 : vector<1x128xf32> to vector<1000x128xf32>
    %add3A_71 = arith.addf %add3A_66, %add3A_70 : vector<1000x128xf32>
    %swap3A = arith.constant 0 : index
    %swap3A_72 = arith.constant 0 : index
    %swap3A_73 = vector.load %arg15[%swap3A, %swap3A_72] : memref<1000x128xf32, #tpu.memory_space<vmem>>, vector<1000x128xf32>
    tpu.vector_store %arg15[%swap3A, %swap3A_72], %add3A_71 {strides = array<i32>} : memref<1000x128xf32, #tpu.memory_space<vmem>>, vector<1000x128xf32>,
    return
  }
  func.func @transform_0(%arg0: i32) -> (i32, i32) {
    %c0_i32 = arith.constant 0 : i32
    %c0_i32_0 = arith.constant 0 : i32
    return %arg0, %c0_i32 : i32, i32
  }
  func.func @transform_1(%arg0: i32) -> (i32, i32, i32) {
    %c0_i32 = arith.constant 0 : i32
    %c0_i32_0 = arith.constant 0 : i32
    %c0_i32_1 = arith.constant 0 : i32
    return %c0_i32, %arg0, %c0_i32_0 : i32, i32, i32
  }
  func.func @transform_2(%arg0: i32) -> (i32, i32) {
    %c0_i32 = arith.constant 0 : i32
    %c0_i32_0 = arith.constant 0 : i32
    return %arg0, %c0_i32 : i32, i32
  }
  func.func @transform_3(%arg0: i32) -> (i32, i32) {
    %c0_i32 = arith.constant 0 : i32
    %c0_i32_0 = arith.constant 0 : i32
    %c0_i32_1 = arith.constant 0 : i32
    return %c0_i32, %c0_i32_0 : i32, i32
  }
  func.func @transform_4(%arg0: i32) -> (i32, i32) {
    %c0_i32 = arith.constant 0 : i32
    %c0_i32_0 = arith.constant 0 : i32
    %c0_i32_1 = arith.constant 0 : i32
    return %c0_i32, %c0_i32_0 : i32, i32
  }
  func.func @transform_5(%arg0: i32) -> (i32, i32) {
    %c0_i32 = arith.constant 0 : i32
    %c0_i32_0 = arith.constant 0 : i32
    %c0_i32_1 = arith.constant 0 : i32
    return %c0_i32, %c0_i32_0 : i32, i32
  }
  func.func @transform_6(%arg0: i32) -> (i32, i32) {
    %c0_i32 = arith.constant 0 : i32
    %c0_i32_0 = arith.constant 0 : i32
    %c0_i32_1 = arith.constant 0 : i32
    return %c0_i32, %c0_i32_0 : i32, i32
  }
  func.func @transform_7(%arg0: i32) -> (i32, i32) {
    %c0_i32 = arith.constant 0 : i32
    %c0_i32_0 = arith.constant 0 : i32
    %c0_i32_1 = arith.constant 0 : i32
    return %c0_i32, %c0_i32_0 : i32, i32
  }
  func.func @transform_8(%arg0: i32) -> (i32, i32) {
    %c0_i32 = arith.constant 0 : i32
    %c0_i32_0 = arith.constant 0 : i32
    %c0_i32_1 = arith.constant 0 : i32
    return %c0_i32, %c0_i32_0 : i32, i32
  }
  func.func @transform_9(%arg0: i32) -> (i32, i32) {
    %c0_i32 = arith.constant 0 : i32
    %c0_i32_0 = arith.constant 0 : i32
    %c0_i32_1 = arith.constant 0 : i32
    return %c0_i32, %c0_i32_0 : i32, i32
  }
  func.func @transform_10(%arg0: i32) -> (i32, i32) {
    %c0_i32 = arith.constant 0 : i32
    %c0_i32_0 = arith.constant 0 : i32
    %c0_i32_1 = arith.constant 0 : i32
    return %c0_i32, %c0_i32_0 : i32, i32
  }
  func.func @transform_11(%arg0: i32) -> (i32, i32) {
    %c0_i32 = arith.constant 0 : i32
    %c0_i32_0 = arith.constant 0 : i32
    %c0_i32_1 = arith.constant 0 : i32
    return %c0_i32, %c0_i32_0 : i32, i32
  }
  func.func @transform_12(%arg0: i32) -> (i32, i32) {
    %c0_i32 = arith.constant 0 : i32
    %c0_i32_0 = arith.constant 0 : i32
    %c0_i32_1 = arith.constant 0 : i32
    return %c0_i32, %c0_i32_0 : i32, i32
  }
  func.func @transform_13(%arg0: i32) -> (i32, i32) {
    %c0_i32 = arith.constant 0 : i32
    %c0_i32_0 = arith.constant 0 : i32
    %c0_i32_1 = arith.constant 0 : i32
    return %c0_i32, %c0_i32_0 : i32, i32
  }
  func.func @transform_14(%arg0: i32) -> (i32, i32) {
    %c0_i32 = arith.constant 0 : i32
    %c0_i32_0 = arith.constant 0 : i32
    return %arg0, %c0_i32 : i32, i32
  }
}

</mosaic_0001>

<sc_bundles>
// kernel: kernel.11.cloned.1.call-start
scs
__scs_entry_jumppad:
0x0: {  	(pc) =	sbr.rel $0x88, $3  }
0x1: {  	(tag) =	ssettag $0x0;
	lr =	simm.s32 $0x1  }
0x2: {  	[smem:$0x3F89] =	sst lr;
	_ =	strace $0xD0000000  }
0x3: {  	_ = 	snop  }
0x4: {  	_ = 	snop  }
0x5: {  	_ = 	snop  }
0x6: {  	_ = 	snop  }
0x7: {  	_ = 	snop  }
__scs_overlays_trampoline_lowered:
0x8: {  	[smem:$0x3F98] =	sst s0  }
0x9: {  	[smem:$0x3F99] =	sst s1  }
0xa: {  	[smem:$0x3F9A] =	sst s2  }
0xb: {  	[smem:$0x3F9B] =	sst s3  }
0xc: {  	[smem:$0x3F9C] =	sst s4  }
0xd: {  	[smem:$0x3F9D] =	sst s5  }
0xe: {  	[smem:$0x3F9E] =	sst s6  }
0xf: {  	[smem:$0x3F9F] =	sst s7  }
0x10: {  	[smem:$0x3FA0] =	sst s8  }
0x11: {  	[smem:$0x3FA1] =	sst s9;
	s0 =	simm.s32 @!p0 $0x0  }
0x12: {  	s1 =	sld [smem:$0x3F87];
	s0 =	simm.s32 @p0 $0x1  }
0x13: {  	[smem:$0x3FA2] =	sst s0;
	s0 =	simm.s32 @!p1 $0x0  }
0x14: {  	s2 =	sld [smem:$0x3F86];
	s0 =	simm.s32 @p1 $0x1  }
0x15: {  	[smem:$0x3FA3] =	sst s0;
	s0 =	simm.s32 @!p2 $0x0  }
0x16: {  	s3 =	sld [smem:$0x3FDB];
	s0 =	simm.s32 @p2 $0x1  }
0x17: {  	s4 =	simm.s32 $0x1BF5;
	[smem:$0x3FA5] =	sst s0  }
0x18: {  	s0 =	sld [smem:$0x3F88];
	_ =	swait.ge [sflag:s4], $0x0  }
0x19: {  	s7 =	sld [smem:$0x3F89]  }
0x1a: {  	s8 =	sadd.s32 $0xFFFFE003, lr  }
0x1b: {  	s9 =	sadd.s32 $0xFFFFFEF7, lr;
	s5 =	simm.s32 $0xFFFFFFFF;
	p2 =	slt.u32 s8, $0xFFFFF086  }
0x1c: {  	p1 =	slt.u32 s9, $0xF7A;
	s5 =	simm.s32 @!p2 $0x0  }
0x1d: {  	s5 =	simm.s32 @p1 $0x1;
	p0 =	seq.s32 s7, s2  }
0x1e: {  	s7 =	smul.u32 @!p0 $0xF7A, s2;
	p2 =	seq.s32 @!p0 s5, $0x0  }
0x1f: {  	s9 =	smul.u32 $0xF7A, s1;
	s8 =	simm.s32 @!p0 $0x1BF5;
	p2 =	por !p2, p0  }
0x20: {  	[sflag:s8] =	ssyncset.s32 @!p0 $0xFFFFF086;
	s6 =	sadd.s32 @!p0 s3, s7;
	s7 =	simm.s32 @!p0 $0x108  }
0x21: {  	s3 =	sadd.s32 s3, s9;
	s6 =	sadd.s32 @!p0 $0x88, s6;
	s7 =	simm.s32 @p2 $0x1082  }
0x22: {  	[simem:s7], [sflag:s8] =	dma.local @!p0 [hbm:s6], $0xF7A  }
0x23: {  	s9 =	sor.u32 $0xD0000000, s2;
	s6 =	simm.s32 $0x108;
	_ =	swait.ge @!p0 [sflag:s8], $0x0  }
0x24: {  	s3 =	sadd.s32 $0x88, s3;
	s6 =	simm.s32 @!p1 $0x1082;
	[sflag:s4] =	ssyncset.s32 $0xFFFFF086  }
0x25: {  	[simem:s6], [sflag:s4] =	dma.local [hbm:s3], $0xF7A  }
0x26: {  	[smem:$0x3F89] =	sst s1;
	(tag) =	ssettag s2;
	_ =	strace s9  }
0x27: {  	s1 =	sld [smem:$0x3F99]  }
0x28: {  	s2 =	sld [smem:$0x3F9A]  }
0x29: {  	s4 =	sld [smem:$0x3F9C]  }
0x2a: {  	p0 =	seq.s32 s5, $0x0;
	s5 =	sld [smem:$0x3F9D]  }
0x2b: {  	s6 =	sld [smem:$0x3F9E]  }
0x2c: {  	s7 =	sld [smem:$0x3F9F]  }
0x2d: {  	s3 =	simm.s32 $0x108;
	s8 =	sld [smem:$0x3FA0]  }
0x2e: {  	s3 =	simm.s32 @!p0 $0x1082;
	s9 =	sld [smem:$0x3FA1]  }
0x2f: {  	lr =	sadd.s32 s0, s3;
	s0 =	sld [smem:$0x3F98]  }
0x30: {  	s3 =	sld [smem:$0x3F9B]  }
0x31: {  	[smem:$0x3FA4] =	sst s10  }
0x32: {  	s10 =	sld [smem:$0x3FA2];
	_ =	sdelay $0x3  }
0x33: {  	p0 =	seq.s32 s10, $0x1;
	s10 =	sld [smem:$0x3FA4];
	_ =	sdelay $0x3  }
0x34: {  	[smem:$0x3FA4] =	sst s10  }
0x35: {  	s10 =	sld [smem:$0x3FA3];
	_ =	sdelay $0x3  }
0x36: {  	p1 =	seq.s32 s10, $0x1;
	s10 =	sld [smem:$0x3FA4];
	_ =	sdelay $0x3  }
0x37: {  	[smem:$0x3FA4] =	sst s10  }
0x38: {  	s10 =	sld [smem:$0x3FA5]  }
0x39: {  	_ = 	snop;
	(pc) =	sbr.ind lr, $3  }
0x3a: {  	_ = 	snop  }
0x3b: {  	_ = 	snop  }
0x3c: {  	p2 =	seq.s32 s10, $0x1;
	s10 =	sld [smem:$0x3FA4]  }
0x3d: {  	_ =	shalt  }
0x3e: {  	_ =	shalt  }
0x3f: {  	_ =	shalt  }
0x40: {  	_ =	shalt  }
0x41: {  	_ =	shalt  }
0x42: {  	_ =	shalt  }
0x43: {  	_ =	shalt  }
0x44: {  	_ =	shalt  }
0x45: {  	_ =	shalt  }
0x46: {  	_ =	shalt  }
0x47: {  	_ =	shalt  }
0x48: {  	_ =	shalt  }
0x49: {  	_ =	shalt  }
0x4a: {  	_ =	shalt  }
0x4b: {  	_ =	shalt  }
0x4c: {  	_ =	shalt  }
0x4d: {  	_ =	shalt  }
0x4e: {  	_ =	shalt  }
0x4f: {  	_ =	shalt  }
0x50: {  	_ =	shalt  }
0x51: {  	_ =	shalt  }
0x52: {  	_ =	shalt  }
0x53: {  	_ =	shalt  }
0x54: {  	_ =	shalt  }
0x55: {  	_ =	shalt  }
0x56: {  	_ =	shalt  }
0x57: {  	_ =	shalt  }
0x58: {  	_ =	shalt  }
0x59: {  	_ =	shalt  }
0x5a: {  	_ =	shalt  }
0x5b: {  	_ =	shalt  }
0x5c: {  	_ =	shalt  }
0x5d: {  	_ =	shalt  }
0x5e: {  	_ =	shalt  }
0x5f: {  	_ =	shalt  }
0x60: {  	_ =	shalt  }
0x61: {  	_ =	shalt  }
0x62: {  	_ =	shalt  }
0x63: {  	_ =	shalt  }
0x64: {  	_ =	shalt  }
0x65: {  	_ =	shalt  }
0x66: {  	_ =	shalt  }
0x67: {  	_ =	shalt  }
0x68: {  	_ =	shalt  }
0x69: {  	_ =	shalt  }
0x6a: {  	_ =	shalt  }
0x6b: {  	_ =	shalt  }
0x6c: {  	_ =	shalt  }
0x6d: {  	_ =	shalt  }
0x6e: {  	_ =	shalt  }
0x6f: {  	_ =	shalt  }
0x70: {  	_ =	shalt  }
0x71: {  	_ =	shalt  }
0x72: {  	_ =	shalt  }
0x73: {  	_ =	shalt  }
0x74: {  	_ =	shalt  }
0x75: {  	_ =	shalt  }
0x76: {  	_ =	shalt  }
0x77: {  	_ =	shalt  }
0x78: {  	_ =	shalt  }
0x79: {  	_ =	shalt  }
0x7a: {  	_ =	shalt  }
0x7b: {  	_ =	shalt  }
0x7c: {  	_ =	shalt  }
0x7d: {  	_ =	shalt  }
0x7e: {  	_ =	shalt  }
0x7f: {  	_ =	shalt  }
0x80: {  	_ =	shalt  }
0x81: {  	_ =	shalt  }
0x82: {  	_ =	shalt  }
0x83: {  	_ =	shalt  }
0x84: {  	_ =	shalt  }
0x85: {  	_ =	shalt  }
0x86: {  	_ =	shalt  }
0x87: {  	_ =	shalt  }
.Lfunc_end0:
.L_simem_size_0:
called_computation_lowered:
.L_overlay_start_0:
0x88: {  	s2 =	sld [smem:$0x3FD9]  }
0x89: {  	s3 =	sld [smem:$0x3FFE];
	_ =	sdelay $0x1  }
0x8a: {  	s1 =	srdreg.scid  }
0x8b: {  	s0 =	sand.u32 $0x1, s1  }
0x8c: {  	s17 =	sshll.u32 s0, $0xA;
	s2 =	sadd.s32 s3, s2  }
0x8d: {  	s2 =	sadd.s32 s2, s17  }
0x8e: {  	[smem:$0x3FB0] =	sst s2  }
0x8f: {  	_ = 	snop  }
0x90: {  	s2 =	sld [smem:$0x3FD0];
	(tm) =	ssettm $0x1  }
0x91: {  	s18 =	sld [smem:$0x3FFB];
	_ =	sdelay $0x3  }
0x92: {  	_ =	strace s18  }
0x93: {  	s3 =	sld [smem:$0x3FFC];
	_ =	sdelay $0x3  }
0x94: {  	_ =	strace s3  }
0x95: {  	s3 =	sld [smem:$0x3FFD];
	_ =	sdelay $0x3  }
0x96: {  	_ =	strace s3  }
0x97: {  	_ =	strace $0x8FFFFFFF  }
0x98: {  	s19 =	sld [smem:$0x3FDB];
	_ =	sdelay $0x1  }
0x99: {  	s4 =	simm.s32 $_scs_section_size  }
0x9a: {  	s5 =	simm.s32 $_size__tile_overlayer_lowered;
	s6 =	simm.s32 $_tile_overlayer_lowered  }
0x9b: {  	s22 =	simm.s32 $0x1BFF;
	s21 =	sshll.u32 s6, $0x1;
	s3 =	sadd.s32 s4, s19  }
0x9c: {  	s7 =	simm.s32 $0x0;
	s20 =	sshll.u32 s5, $0x1;
	s5 =	sadd.s32 s21, s3  }
0x9d: {  	[timem:s7], [sflag:s22] =	dma.local [hbm:s5], s20  }
0x9e: {  	_ =	swait.ge [sflag:s22], s20  }
0x9f: {  	s4 =	ssub.s32 $0x0, s20;
	[sflag:s22] =	ssyncset.done $0x0  }
0xa0: {  	[sflag:s22] =	ssyncadd.s32 s4;
	_ =	sdelay $0x1  }
0xa1: {  	s23 =	simm.s32 $0x1B8B  }
0xa2: {  	_ =	swait.ge [sflag:s23], $0x1  }
0xa3: {  	[sflag:s23] =	ssyncset.done $0x0  }
0xa4: {  	s25 =	simm.s32 $0x1B8E;
	s24 =	sld [smem:$0x3FFE];
	[sflag:s23] =	ssyncadd.s32 $0xFFFFFFFF  }
0xa5: {  	s26 =	simm.s32 $execute0_lowered;
	[smem:$0x3FD2] =	sst s25  }
0xa6: {  	s5 =	sshll.u32 s26, $0x1;
	_ =	strace $0x80000046;
	[dreg:$0x1] =	wrdreg $0xFFFFFFFF  }
0xa7: {  	s28 =	simm.s32 $_size_execute0_lowered;
	s3 =	sadd.s32 s3, s5;
	[dreg:$0x0] =	wrdreg $0x0  }
0xa8: {  	s5 =	sshll.u32 s28, $0x1;
	[dreg:$0x2] =	wrdreg s3  }
0xa9: {  	[dreg:$0x3] =	wrdreg s5  }
0xaa: {  	[dreg:$0x4] =	wrdreg $0xC0  }
0xab: {  	_ =	task [dreg:s7], $0x5FFFF  }
0xac: {  	[dreg:$0x1] =	wrdreg $0xFFFFFFFF  }
0xad: {  	[dreg:$0x0] =	wrdreg $0x60  }
0xae: {  	[dreg:$0x2] =	wrdreg s2  }
0xaf: {  	[dreg:$0x3] =	wrdreg s24  }
0xb0: {  	[dreg:$0x4] =	wrdreg $0x41000  }
0xb1: {  	[dreg:$0x5] =	wrdreg $0x9  }
0xb2: {  	_ =	task.clear_ibuf [dreg:s7], $0x6FFFF;
	_ =	strace $0x90000046  }
0xb3: {  	s29 =	simm.s32 $0x9;
	_ =	strace $0x80000048  }
0xb4: {  	_ =	swait.ge [sflag:s29], $0x1  }
0xb5: {  	[sflag:s29] =	ssyncadd.s32 $0xFFFFFFFF  }
0xb6: {  	_ =	strace $0x90000048  }
0xb7: {  	_ =	sfence  }
0xb8: {  	s30 =	sld [smem:$0x0];
	_ =	sdelay $0x2  }
0xb9: {  	s31 =	sshll.u32 s1, $0xD;
	s1 =	sshrl.u32 s1, $0x2  }
0xba: {  	s3 =	sand.u32 $0x4000, s31;
	s1 =	sadd.s32 s1, s30  }
0xbb: {  	s0 =	sor.u32 s3, s0;
	s1 =	sshll.u32 s1, $0x11  }
0xbc: {  	s0 =	sor.u32 s1, s0  }
0xbd: {  	s0 =	sadd.s32 $0x8F2B, s0  }
0xbe: {  	[sflag:s0] =	ssyncadd.remote.s32 $0x1  }
0xbf: {  	_ =	sfence.sel $0xFFFF  }
0xc0: {  	[dreg:$0x0] =	wrdreg $0xFFFFFFFF;
	(pc) =	sbr.abs _section_cstart, $3  }
0xc1: {  	[dreg:$0x1] =	wrdreg $0xFFFFFFFF  }
0xc2: {  	_ =	task.clear_ibuf [dreg:s7], $0x2FFFF;
	_ =	strace $0x9FFFFFFF  }
0xc3: {  	(tm) =	ssettm $0x7FFFFFFF  }
tec
execute0_lowered:
.L_overlay_start_1:
0x0: {  	(tag) =	ssettag $0x1  }
0x1: {  	s2 =	rddreg [dreg:$0x0]  }
0x2: {  	s5 =	rddreg [dreg:$0x1]  }
0x3: {  	s3 =	rddreg [dreg:$0x2]  }
0x4: {  	s0 =	rddreg [dreg:$0x3]  }
0x5: {  	s1 =	stileid.u32;
	s7 =	srdreg.scid;
	s4 =	simm.s32 $0x0  }
0x6: {  	s13 =	simm.s32 $0x80;
	s14 =	simm.s32 $0x100;
	s6 =	smul.u32 $0xA00, s1  }
0x7: {  	s15 =	simm.s32 $0x1;
	s16 =	simm.s32 $0x0;
	s8 =	smul.u32 $0x13C00, s1  }
0x8: {  	s7 =	sand.u32 $0x1, s7;
	[smem:$0x7FF] =	sst s4;
	s11 =	smul.u32 $0x4F000, s1  }
0x9: {  	s31 =	sshll.u32 s1, $0x6;
	s9 =	smul.u32 $0x13C000, s7;
	_ =	strace $0x80000047  }
0xa: {  	s26 =	ssub.s32 $0x2, s7;
	s30 =	smul.u32 $0x500, s7;
	s10 =	sadd.s32 s6, s5  }
0xb: {  	s25 =	sshrl.u32 s8, $0x3;
	s28 =	sshrl.u32 s26, $0x1;
	s29 =	sshrl.u32 s11, $0x2  }
0xc: {  	s8 =	sadd.s32 s8, s9;
	s6 =	sadd.s32 s25, s5;
	s9 =	ssub.s32 s26, s28  }
0xd: {  	s12 =	sadd.s32 s29, s3;
	s10 =	sadd.s32 s30, s10;
	s8 =	sshrl.u32 s8, $0x3  }
0xe: {  	s11 =	sshrl.u32 s12, $0x3;
	s12 =	simm.s32 $0x2;
	s8 =	sadd.s32 s8, s5  }
0xf: {  	s5 =	sadd.s32 $0x67C00, s6;
	s6 =	sor.u32 $0x1C02, s31;
	s7 =	sadd.s32 $0x8F400, s8  }
0x10: {  	s8 =	smax.u32 s9, $0x1;
	s9 =	sadd.s32 $0xFA00, s10;
	s10 =	sadd.s32 $0x5A00, s10  }
.LBB2_1:
0x11: {  	[spmem:s11], [sflag:s6] =	dma.local [hbm:s5], $0x2780  }
0x12: {  	_ =	swait.ge [sflag:s12], $0x2780  }
0x13: {  	[sflag:s12] =	ssyncset.done $0x0  }
0x14: {  	[sflag:s12] =	ssyncadd.s32 $0xFFFFD880  }
0x15: {  	s17 =	sadd.s32 $0x0, s10;
	[bflag:$0x0] =	sbarrier.arrive $0xFFFF  }
0x16: {  	[tilespmem:s4], [sflag:$0x2] =	stream.linear.gather [hbm4b:s17+s4], $0x80, $0x38;
	[tilespmem:$0x17D00] =	vst v63  }
0x17: {  	_ =	swait.ge [sflag:s12], $0x80  }
0x18: {  	[sflag:s12] =	ssyncset.done $0x0  }
0x19: {  	s31 =	sadd.s32 $0x0, s9;
	[sflag:s12] =	ssyncadd.s32 $0xFFFFFF80  }
0x1a: {  	[tilespmem:s13], [sflag:$0x2] =	stream.linear.gather [hbm4b:s31+s4], $0x80, $0x38;
	[tilespmem:$0x17D00] =	vst v63  }
0x1b: {  	_ =	swait.ge [sflag:s12], $0x80  }
0x1c: {  	[sflag:s12] =	ssyncset.done $0x0  }
0x1d: {  	[sflag:s12] =	ssyncadd.s32 $0xFFFFFF80  }
0x1e: {  	[tilespmem:s14], [sflag:$0x1] =	stream.indirect.gather [hbm4b:s2+s13], $0x80, s4, s13, $0xb8;
	[tilespmem:$0x17D00] =	vst v63  }
0x1f: {  	_ =	swait.ge [sflag:s15], $0x4000  }
0x20: {  	[sflag:s15] =	ssyncset.done $0x0  }
0x21: {  	[sflag:s15] =	ssyncadd.s32 $0xFFFFC000  }
0x22: {  	[spmem:s3] =	stream.indirect.scatter.add.f32 [tilespmem:s14], [sflag:$0x2], $0x80, s13, s13, $0xb8;
	[tilespmem:$0x17D00] =	vst v63  }
0x23: {  	_ =	swait.ge [sflag:s12], $0x4000  }
0x24: {  	s18 =	simm.s32 $0x20;
	s17 =	simm.s32 $0x10;
	[sflag:s12] =	ssyncset.done $0x0  }
.LBB2_2:
0x25: {  	s19 =	sadd.s32 s17, s10  }
0x26: {  	[sflag:s12] =	ssyncadd.s32 $0xFFFFC000;
	s20 =	smov.u32 s18;
	s21 =	sadd.s32 $0x10, s18  }
0x27: {  	[tilespmem:s4], [sflag:$0x2] =	stream.linear.gather [hbm4b:s19+s4], $0x80, $0x38;
	[tilespmem:$0x17D00] =	vst v63  }
0x28: {  	p0 =	sne.s32 s18, $0x4F0;
	_ =	swait.ge [sflag:s12], $0x80  }
0x29: {  	[sflag:s12] =	ssyncset.done $0x0  }
0x2a: {  	s18 =	sadd.s32 s17, s9;
	s17 =	smov.u32 s20;
	[sflag:s12] =	ssyncadd.s32 $0xFFFFFF80  }
0x2b: {  	[tilespmem:s13], [sflag:$0x2] =	stream.linear.gather [hbm4b:s18+s4], $0x80, $0x38;
	[tilespmem:$0x17D00] =	vst v63  }
0x2c: {  	_ =	swait.ge [sflag:s12], $0x80  }
0x2d: {  	[sflag:s12] =	ssyncset.done $0x0  }
0x2e: {  	[sflag:s12] =	ssyncadd.s32 $0xFFFFFF80  }
0x2f: {  	[tilespmem:s14], [sflag:$0x1] =	stream.indirect.gather [hbm4b:s2+s13], $0x80, s4, s13, $0xb8;
	[tilespmem:$0x17D00] =	vst v63  }
0x30: {  	_ =	swait.ge [sflag:s15], $0x4000  }
.Ltmp0:
0x31: {  	[sflag:s15] =	ssyncset.done $0x0;
	(pc) =	sbr.rel @p0 .LBB2_2-.Ltmp0, $4  }
0x32: {  	[sflag:s15] =	ssyncadd.s32 $0xFFFFC000  }
0x33: {  	[spmem:s3] =	stream.indirect.scatter.add.f32 [tilespmem:s14], [sflag:$0x2], $0x80, s13, s13, $0xb8;
	[tilespmem:$0x17D00] =	vst v63  }
0x34: {  	_ =	swait.ge [sflag:s12], $0x4000  }
0x35: {  	s18 =	smov.u32 s21;
	[sflag:s12] =	ssyncset.done $0x0  }
0x36: {  	s18 =	sadd.s32 s17, s10;
	[sflag:s12] =	ssyncadd.s32 $0xFFFFC000  }
0x37: {  	[tilespmem:s4], [sflag:$0x2] =	stream.linear.gather [hbm4b:s18+s4], $0x80, $0x38;
	[tilespmem:$0x17D00] =	vst v63  }
0x38: {  	_ =	swait.ge [sflag:s12], $0x80  }
0x39: {  	[sflag:s12] =	ssyncset.done $0x0  }
0x3a: {  	s31 =	sadd.s32 s17, s9;
	[sflag:s12] =	ssyncadd.s32 $0xFFFFFF80  }
0x3b: {  	[tilespmem:s13], [sflag:$0x2] =	stream.linear.gather [hbm4b:s31+s4], $0x80, $0x38;
	[tilespmem:$0x17D00] =	vst v63  }
0x3c: {  	_ =	swait.ge [sflag:s12], $0x80  }
0x3d: {  	[sflag:s12] =	ssyncset.done $0x0  }
0x3e: {  	[sflag:s12] =	ssyncadd.s32 $0xFFFFFF80  }
0x3f: {  	[tilespmem:s14], [sflag:$0x1] =	stream.indirect.gather [hbm4b:s2+s13], $0x80, s4, s13, $0xb8;
	[tilespmem:$0x17D00] =	vst v63  }
0x40: {  	_ =	swait.ge [sflag:s15], $0x4000  }
0x41: {  	[sflag:s15] =	ssyncset.done $0x0  }
0x42: {  	[sflag:s15] =	ssyncadd.s32 $0xFFFFC000  }
0x43: {  	[spmem:s3] =	stream.indirect.scatter.add.f32 [tilespmem:s14], [sflag:$0x2], $0x80, s13, s13, $0xb8;
	[tilespmem:$0x17D00] =	vst v63  }
0x44: {  	_ =	swait.ge [sflag:s12], $0x4000  }
0x45: {  	s16 =	sadd.s32 $0x1, s16;
	[sflag:s12] =	ssyncset.done $0x0  }
0x46: {  	p0 =	sne.s32 s16, s8;
	[sflag:s12] =	ssyncadd.s32 $0xFFFFC000  }
.Ltmp1:
0x47: {  	[bflag:$0x0] =	sbarrier.arrive $0xFFFF;
	(pc) =	sbr.rel @p0 .LBB2_1-.Ltmp1, $4  }
0x48: {  	[hbm:s7], [sflag:s6] =	dma.local [spmem:s11], $0x2780  }
0x49: {  	_ =	swait.ge [sflag:s12], $0x2780  }
0x4a: {  	[sflag:s12] =	ssyncset.done $0x0  }
0x4b: {  	[sflag:s12] =	ssyncadd.s32 $0xFFFFD880  }
0x4c: {  	_ =	sfence.sel $0x180000  }
0x4d: {  	[bflag:$0x0] =	sbarrier.arrive $0xFFFF  }
0x4e: {  	p0 =	sne.s32 s1, $0x0;
	_ =	strace $0x90000047  }
0x4f: {  	s0 =	sadd.s32 @!p0 $0x100000, s0;
	[bflag:$0x2] =	sbarrier.arrive $0xFFFF  }
0x50: {  	[sflag:s0] =	ssyncadd.tile.s32 @!p0 $0x1;
	_ =	shalt  }
.Lfunc_end2:
_tile_overlayer_lowered:
.L_overlay_start_2:
0x51: {  	(tag) =	ssettag $0x2  }
0x52: {  	s0 =	rddreg [dreg:$0x0];
	s2 =	stileid.u32  }
0x53: {  	s1 =	rddreg [dreg:$0x1];
	p0 =	sne.s32 s2, $0x0  }
0x54: {  	s3 =	rddreg [dreg:$0x2];
	[bflag:$0x3] =	sbarrier.arrive $0xFFFF;
	s2 =	simm.s32 @!p0 $0x1C02  }
0x55: {  	[timem:s3], [sflag:s2] =	dma.local @!p0 [hbm:s0], s1  }
0x56: {  	s0 =	simm.s32 @!p0 $0x2  }
0x57: {  	_ =	swait.ge @!p0 [sflag:s0], s1  }
0x58: {  	s1 =	ssub.s32 @!p0 $0x0, s1;
	[sflag:s0] =	ssyncset.done @!p0 $0x0  }
0x59: {  	[sflag:s0] =	ssyncadd.s32 @!p0 s1  }
0x5a: {  	[bflag:$0x3] =	sbarrier.arrive $0xFFFF  }
0x5b: {  	_ =	shalt  }

// kernel: kernel.14.cloned.1.call-start
scs
__scs_entry_jumppad:
0x0: {  	(pc) =	sbr.rel $0x88, $3  }
0x1: {  	(tag) =	ssettag $0x0;
	lr =	simm.s32 $0x1  }
0x2: {  	[smem:$0x3F89] =	sst lr;
	_ =	strace $0xD0000000  }
0x3: {  	_ = 	snop  }
0x4: {  	_ = 	snop  }
0x5: {  	_ = 	snop  }
0x6: {  	_ = 	snop  }
0x7: {  	_ = 	snop  }
__scs_overlays_trampoline_lowered:
0x8: {  	[smem:$0x3F98] =	sst s0  }
0x9: {  	[smem:$0x3F99] =	sst s1  }
0xa: {  	[smem:$0x3F9A] =	sst s2  }
0xb: {  	[smem:$0x3F9B] =	sst s3  }
0xc: {  	[smem:$0x3F9C] =	sst s4  }
0xd: {  	[smem:$0x3F9D] =	sst s5  }
0xe: {  	[smem:$0x3F9E] =	sst s6  }
0xf: {  	[smem:$0x3F9F] =	sst s7  }
0x10: {  	[smem:$0x3FA0] =	sst s8  }
0x11: {  	[smem:$0x3FA1] =	sst s9;
	s0 =	simm.s32 @!p0 $0x0  }
0x12: {  	s1 =	sld [smem:$0x3F87];
	s0 =	simm.s32 @p0 $0x1  }
0x13: {  	[smem:$0x3FA2] =	sst s0;
	s0 =	simm.s32 @!p1 $0x0  }
0x14: {  	s2 =	sld [smem:$0x3F86];
	s0 =	simm.s32 @p1 $0x1  }
0x15: {  	[smem:$0x3FA3] =	sst s0;
	s0 =	simm.s32 @!p2 $0x0  }
0x16: {  	s3 =	sld [smem:$0x3FDB];
	s0 =	simm.s32 @p2 $0x1  }
0x17: {  	s4 =	simm.s32 $0x1BF5;
	[smem:$0x3FA5] =	sst s0  }
0x18: {  	s0 =	sld [smem:$0x3F88];
	_ =	swait.ge [sflag:s4], $0x0  }
0x19: {  	s7 =	sld [smem:$0x3F89]  }
0x1a: {  	s8 =	sadd.s32 $0xFFFFE003, lr  }
0x1b: {  	s9 =	sadd.s32 $0xFFFFFEF7, lr;
	s5 =	simm.s32 $0xFFFFFFFF;
	p2 =	slt.u32 s8, $0xFFFFF086  }
0x1c: {  	p1 =	slt.u32 s9, $0xF7A;
	s5 =	simm.s32 @!p2 $0x0  }
0x1d: {  	s5 =	simm.s32 @p1 $0x1;
	p0 =	seq.s32 s7, s2  }
0x1e: {  	s7 =	smul.u32 @!p0 $0xF7A, s2;
	p2 =	seq.s32 @!p0 s5, $0x0  }
0x1f: {  	s9 =	smul.u32 $0xF7A, s1;
	s8 =	simm.s32 @!p0 $0x1BF5;
	p2 =	por !p2, p0  }
0x20: {  	[sflag:s8] =	ssyncset.s32 @!p0 $0xFFFFF086;
	s6 =	sadd.s32 @!p0 s3, s7;
	s7 =	simm.s32 @!p0 $0x108  }
0x21: {  	s3 =	sadd.s32 s3, s9;
	s6 =	sadd.s32 @!p0 $0x88, s6;
	s7 =	simm.s32 @p2 $0x1082  }
0x22: {  	[simem:s7], [sflag:s8] =	dma.local @!p0 [hbm:s6], $0xF7A  }
0x23: {  	s9 =	sor.u32 $0xD0000000, s2;
	s6 =	simm.s32 $0x108;
	_ =	swait.ge @!p0 [sflag:s8], $0x0  }
0x24: {  	s3 =	sadd.s32 $0x88, s3;
	s6 =	simm.s32 @!p1 $0x1082;
	[sflag:s4] =	ssyncset.s32 $0xFFFFF086  }
0x25: {  	[simem:s6], [sflag:s4] =	dma.local [hbm:s3], $0xF7A  }
0x26: {  	[smem:$0x3F89] =	sst s1;
	(tag) =	ssettag s2;
	_ =	strace s9  }
0x27: {  	s1 =	sld [smem:$0x3F99]  }
0x28: {  	s2 =	sld [smem:$0x3F9A]  }
0x29: {  	s4 =	sld [smem:$0x3F9C]  }
0x2a: {  	p0 =	seq.s32 s5, $0x0;
	s5 =	sld [smem:$0x3F9D]  }
0x2b: {  	s6 =	sld [smem:$0x3F9E]  }
0x2c: {  	s7 =	sld [smem:$0x3F9F]  }
0x2d: {  	s3 =	simm.s32 $0x108;
	s8 =	sld [smem:$0x3FA0]  }
0x2e: {  	s3 =	simm.s32 @!p0 $0x1082;
	s9 =	sld [smem:$0x3FA1]  }
0x2f: {  	lr =	sadd.s32 s0, s3;
	s0 =	sld [smem:$0x3F98]  }
0x30: {  	s3 =	sld [smem:$0x3F9B]  }
0x31: {  	[smem:$0x3FA4] =	sst s10  }
0x32: {  	s10 =	sld [smem:$0x3FA2];
	_ =	sdelay $0x3  }
0x33: {  	p0 =	seq.s32 s10, $0x1;
	s10 =	sld [smem:$0x3FA4];
	_ =	sdelay $0x3  }
0x34: {  	[smem:$0x3FA4] =	sst s10  }
0x35: {  	s10 =	sld [smem:$0x3FA3];
	_ =	sdelay $0x3  }
0x36: {  	p1 =	seq.s32 s10, $0x1;
	s10 =	sld [smem:$0x3FA4];
	_ =	sdelay $0x3  }
0x37: {  	[smem:$0x3FA4] =	sst s10  }
0x38: {  	s10 =	sld [smem:$0x3FA5]  }
0x39: {  	_ = 	snop;
	(pc) =	sbr.ind lr, $3  }
0x3a: {  	_ = 	snop  }
0x3b: {  	_ = 	snop  }
0x3c: {  	p2 =	seq.s32 s10, $0x1;
	s10 =	sld [smem:$0x3FA4]  }
0x3d: {  	_ =	shalt  }
0x3e: {  	_ =	shalt  }
0x3f: {  	_ =	shalt  }
0x40: {  	_ =	shalt  }
0x41: {  	_ =	shalt  }
0x42: {  	_ =	shalt  }
0x43: {  	_ =	shalt  }
0x44: {  	_ =	shalt  }
0x45: {  	_ =	shalt  }
0x46: {  	_ =	shalt  }
0x47: {  	_ =	shalt  }
0x48: {  	_ =	shalt  }
0x49: {  	_ =	shalt  }
0x4a: {  	_ =	shalt  }
0x4b: {  	_ =	shalt  }
0x4c: {  	_ =	shalt  }
0x4d: {  	_ =	shalt  }
0x4e: {  	_ =	shalt  }
0x4f: {  	_ =	shalt  }
0x50: {  	_ =	shalt  }
0x51: {  	_ =	shalt  }
0x52: {  	_ =	shalt  }
0x53: {  	_ =	shalt  }
0x54: {  	_ =	shalt  }
0x55: {  	_ =	shalt  }
0x56: {  	_ =	shalt  }
0x57: {  	_ =	shalt  }
0x58: {  	_ =	shalt  }
0x59: {  	_ =	shalt  }
0x5a: {  	_ =	shalt  }
0x5b: {  	_ =	shalt  }
0x5c: {  	_ =	shalt  }
0x5d: {  	_ =	shalt  }
0x5e: {  	_ =	shalt  }
0x5f: {  	_ =	shalt  }
0x60: {  	_ =	shalt  }
0x61: {  	_ =	shalt  }
0x62: {  	_ =	shalt  }
0x63: {  	_ =	shalt  }
0x64: {  	_ =	shalt  }
0x65: {  	_ =	shalt  }
0x66: {  	_ =	shalt  }
0x67: {  	_ =	shalt  }
0x68: {  	_ =	shalt  }
0x69: {  	_ =	shalt  }
0x6a: {  	_ =	shalt  }
0x6b: {  	_ =	shalt  }
0x6c: {  	_ =	shalt  }
0x6d: {  	_ =	shalt  }
0x6e: {  	_ =	shalt  }
0x6f: {  	_ =	shalt  }
0x70: {  	_ =	shalt  }
0x71: {  	_ =	shalt  }
0x72: {  	_ =	shalt  }
0x73: {  	_ =	shalt  }
0x74: {  	_ =	shalt  }
0x75: {  	_ =	shalt  }
0x76: {  	_ =	shalt  }
0x77: {  	_ =	shalt  }
0x78: {  	_ =	shalt  }
0x79: {  	_ =	shalt  }
0x7a: {  	_ =	shalt  }
0x7b: {  	_ =	shalt  }
0x7c: {  	_ =	shalt  }
0x7d: {  	_ =	shalt  }
0x7e: {  	_ =	shalt  }
0x7f: {  	_ =	shalt  }
0x80: {  	_ =	shalt  }
0x81: {  	_ =	shalt  }
0x82: {  	_ =	shalt  }
0x83: {  	_ =	shalt  }
0x84: {  	_ =	shalt  }
0x85: {  	_ =	shalt  }
0x86: {  	_ =	shalt  }
0x87: {  	_ =	shalt  }
.Lfunc_end0:
.L_simem_size_0:
called_computation.1_lowered:
.L_overlay_start_0:
0x88: {  	s2 =	sld [smem:$0x3FD9]  }
0x89: {  	s3 =	sld [smem:$0x3FFE];
	_ =	sdelay $0x1  }
0x8a: {  	s1 =	srdreg.scid  }
0x8b: {  	s0 =	sand.u32 $0x1, s1  }
0x8c: {  	s17 =	sshll.u32 s0, $0xA;
	s2 =	sadd.s32 s3, s2  }
0x8d: {  	s2 =	sadd.s32 s2, s17  }
0x8e: {  	[smem:$0x3FB0] =	sst s2  }
0x8f: {  	_ = 	snop  }
0x90: {  	s2 =	sld [smem:$0x3FD0];
	(tm) =	ssettm $0x1  }
0x91: {  	s18 =	sld [smem:$0x3FFB];
	_ =	sdelay $0x3  }
0x92: {  	_ =	strace s18  }
0x93: {  	s3 =	sld [smem:$0x3FFC];
	_ =	sdelay $0x3  }
0x94: {  	_ =	strace s3  }
0x95: {  	s3 =	sld [smem:$0x3FFD];
	_ =	sdelay $0x3  }
0x96: {  	_ =	strace s3  }
0x97: {  	_ =	strace $0x8FFFFFFF  }
0x98: {  	s19 =	sld [smem:$0x3FDB];
	_ =	sdelay $0x1  }
0x99: {  	s4 =	simm.s32 $_scs_section_size  }
0x9a: {  	s5 =	simm.s32 $_size__tile_overlayer_lowered;
	s6 =	simm.s32 $_tile_overlayer_lowered  }
0x9b: {  	s22 =	simm.s32 $0x1BFF;
	s21 =	sshll.u32 s6, $0x1;
	s3 =	sadd.s32 s4, s19  }
0x9c: {  	s7 =	simm.s32 $0x0;
	s20 =	sshll.u32 s5, $0x1;
	s5 =	sadd.s32 s21, s3  }
0x9d: {  	[timem:s7], [sflag:s22] =	dma.local [hbm:s5], s20  }
0x9e: {  	_ =	swait.ge [sflag:s22], s20  }
0x9f: {  	s4 =	ssub.s32 $0x0, s20;
	[sflag:s22] =	ssyncset.done $0x0  }
0xa0: {  	[sflag:s22] =	ssyncadd.s32 s4;
	_ =	sdelay $0x1  }
0xa1: {  	s23 =	simm.s32 $0x1B8B  }
0xa2: {  	_ =	swait.ge [sflag:s23], $0x1  }
0xa3: {  	[sflag:s23] =	ssyncset.done $0x0  }
0xa4: {  	s25 =	simm.s32 $0x1B8E;
	s24 =	sld [smem:$0x3FFE];
	[sflag:s23] =	ssyncadd.s32 $0xFFFFFFFF  }
0xa5: {  	s26 =	simm.s32 $execute0_lowered;
	[smem:$0x3FD2] =	sst s25  }
0xa6: {  	s5 =	sshll.u32 s26, $0x1;
	_ =	strace $0x80000049;
	[dreg:$0x1] =	wrdreg $0xFFFFFFFF  }
0xa7: {  	s28 =	simm.s32 $_size_execute0_lowered;
	s3 =	sadd.s32 s3, s5;
	[dreg:$0x0] =	wrdreg $0x0  }
0xa8: {  	s5 =	sshll.u32 s28, $0x1;
	[dreg:$0x2] =	wrdreg s3  }
0xa9: {  	[dreg:$0x3] =	wrdreg s5  }
0xaa: {  	[dreg:$0x4] =	wrdreg $0xC0  }
0xab: {  	_ =	task [dreg:s7], $0x5FFFF  }
0xac: {  	[dreg:$0x1] =	wrdreg $0xFFFFFFFF  }
0xad: {  	[dreg:$0x0] =	wrdreg $0x60  }
0xae: {  	[dreg:$0x2] =	wrdreg s2  }
0xaf: {  	[dreg:$0x3] =	wrdreg s24  }
0xb0: {  	[dreg:$0x4] =	wrdreg $0x41000  }
0xb1: {  	[dreg:$0x5] =	wrdreg $0x9  }
0xb2: {  	_ =	task.clear_ibuf [dreg:s7], $0x6FFFF;
	_ =	strace $0x90000049  }
0xb3: {  	s29 =	simm.s32 $0x9;
	_ =	strace $0x8000004B  }
0xb4: {  	_ =	swait.ge [sflag:s29], $0x1  }
0xb5: {  	[sflag:s29] =	ssyncadd.s32 $0xFFFFFFFF  }
0xb6: {  	_ =	strace $0x9000004B  }
0xb7: {  	_ =	sfence  }
0xb8: {  	s30 =	sld [smem:$0x0];
	_ =	sdelay $0x2  }
0xb9: {  	s31 =	sshll.u32 s1, $0xD;
	s1 =	sshrl.u32 s1, $0x2  }
0xba: {  	s3 =	sand.u32 $0x4000, s31;
	s1 =	sadd.s32 s1, s30  }
0xbb: {  	s0 =	sor.u32 s3, s0;
	s1 =	sshll.u32 s1, $0x11  }
0xbc: {  	s0 =	sor.u32 s1, s0  }
0xbd: {  	s0 =	sadd.s32 $0x8F2B, s0  }
0xbe: {  	[sflag:s0] =	ssyncadd.remote.s32 $0x1  }
0xbf: {  	_ =	sfence.sel $0xFFFF  }
0xc0: {  	[dreg:$0x0] =	wrdreg $0xFFFFFFFF;
	(pc) =	sbr.abs _section_cstart, $3  }
0xc1: {  	[dreg:$0x1] =	wrdreg $0xFFFFFFFF  }
0xc2: {  	_ =	task.clear_ibuf [dreg:s7], $0x2FFFF;
	_ =	strace $0x9FFFFFFF  }
0xc3: {  	(tm) =	ssettm $0x7FFFFFFF  }
tec
execute0_lowered:
.L_overlay_start_1:
0x0: {  	(tag) =	ssettag $0x1  }
0x1: {  	s2 =	rddreg [dreg:$0x0]  }
0x2: {  	s5 =	rddreg [dreg:$0x1]  }
0x3: {  	s3 =	rddreg [dreg:$0x2]  }
0x4: {  	s0 =	rddreg [dreg:$0x3]  }
0x5: {  	s1 =	stileid.u32;
	s7 =	srdreg.scid;
	s4 =	simm.s32 $0x0  }
0x6: {  	s13 =	simm.s32 $0x80;
	s14 =	simm.s32 $0x100;
	s6 =	smul.u32 $0xA00, s1  }
0x7: {  	s15 =	simm.s32 $0x1;
	s16 =	simm.s32 $0x0;
	s8 =	smul.u32 $0x13C00, s1  }
0x8: {  	s7 =	sand.u32 $0x1, s7;
	[smem:$0x7FF] =	sst s4;
	s11 =	smul.u32 $0x4F000, s1  }
0x9: {  	s31 =	sshll.u32 s1, $0x6;
	s9 =	smul.u32 $0x13C000, s7;
	_ =	strace $0x8000004A  }
0xa: {  	s26 =	ssub.s32 $0x2, s7;
	s30 =	smul.u32 $0x500, s7;
	s10 =	sadd.s32 s6, s5  }
0xb: {  	s25 =	sshrl.u32 s8, $0x3;
	s28 =	sshrl.u32 s26, $0x1;
	s29 =	sshrl.u32 s11, $0x2  }
0xc: {  	s8 =	sadd.s32 s8, s9;
	s6 =	sadd.s32 s25, s5;
	s9 =	ssub.s32 s26, s28  }
0xd: {  	s12 =	sadd.s32 s29, s3;
	s10 =	sadd.s32 s30, s10;
	s8 =	sshrl.u32 s8, $0x3  }
0xe: {  	s11 =	sshrl.u32 s12, $0x3;
	s12 =	simm.s32 $0x2;
	s8 =	sadd.s32 s8, s5  }
0xf: {  	s5 =	sadd.s32 $0x67C00, s6;
	s6 =	sor.u32 $0x1C02, s31;
	s7 =	sadd.s32 $0x8F400, s8  }
0x10: {  	s8 =	smax.u32 s9, $0x1;
	s9 =	sadd.s32 $0xFA00, s10;
	s10 =	sadd.s32 $0x5A00, s10  }
.LBB2_1:
0x11: {  	[spmem:s11], [sflag:s6] =	dma.local [hbm:s5], $0x2780  }
0x12: {  	_ =	swait.ge [sflag:s12], $0x2780  }
0x13: {  	[sflag:s12] =	ssyncset.done $0x0  }
0x14: {  	[sflag:s12] =	ssyncadd.s32 $0xFFFFD880  }
0x15: {  	s17 =	sadd.s32 $0x0, s10;
	[bflag:$0x0] =	sbarrier.arrive $0xFFFF  }
0x16: {  	[tilespmem:s4], [sflag:$0x2] =	stream.linear.gather [hbm4b:s17+s4], $0x80, $0x38;
	[tilespmem:$0x17D00] =	vst v63  }
0x17: {  	_ =	swait.ge [sflag:s12], $0x80  }
0x18: {  	[sflag:s12] =	ssyncset.done $0x0  }
0x19: {  	s31 =	sadd.s32 $0x0, s9;
	[sflag:s12] =	ssyncadd.s32 $0xFFFFFF80  }
0x1a: {  	[tilespmem:s13], [sflag:$0x2] =	stream.linear.gather [hbm4b:s31+s4], $0x80, $0x38;
	[tilespmem:$0x17D00] =	vst v63  }
0x1b: {  	_ =	swait.ge [sflag:s12], $0x80  }
0x1c: {  	[sflag:s12] =	ssyncset.done $0x0  }
0x1d: {  	[sflag:s12] =	ssyncadd.s32 $0xFFFFFF80  }
0x1e: {  	[tilespmem:s14], [sflag:$0x1] =	stream.indirect.gather [hbm4b:s2+s13], $0x80, s4, s13, $0xb8;
	[tilespmem:$0x17D00] =	vst v63  }
0x1f: {  	_ =	swait.ge [sflag:s15], $0x4000  }
0x20: {  	[sflag:s15] =	ssyncset.done $0x0  }
0x21: {  	[sflag:s15] =	ssyncadd.s32 $0xFFFFC000  }
0x22: {  	[spmem:s3] =	stream.indirect.scatter.add.f32 [tilespmem:s14], [sflag:$0x2], $0x80, s13, s13, $0xb8;
	[tilespmem:$0x17D00] =	vst v63  }
0x23: {  	_ =	swait.ge [sflag:s12], $0x4000  }
0x24: {  	s18 =	simm.s32 $0x20;
	s17 =	simm.s32 $0x10;
	[sflag:s12] =	ssyncset.done $0x0  }
.LBB2_2:
0x25: {  	s19 =	sadd.s32 s17, s10  }
0x26: {  	[sflag:s12] =	ssyncadd.s32 $0xFFFFC000;
	s20 =	smov.u32 s18;
	s21 =	sadd.s32 $0x10, s18  }
0x27: {  	[tilespmem:s4], [sflag:$0x2] =	stream.linear.gather [hbm4b:s19+s4], $0x80, $0x38;
	[tilespmem:$0x17D00] =	vst v63  }
0x28: {  	p0 =	sne.s32 s18, $0x4F0;
	_ =	swait.ge [sflag:s12], $0x80  }
0x29: {  	[sflag:s12] =	ssyncset.done $0x0  }
0x2a: {  	s18 =	sadd.s32 s17, s9;
	s17 =	smov.u32 s20;
	[sflag:s12] =	ssyncadd.s32 $0xFFFFFF80  }
0x2b: {  	[tilespmem:s13], [sflag:$0x2] =	stream.linear.gather [hbm4b:s18+s4], $0x80, $0x38;
	[tilespmem:$0x17D00] =	vst v63  }
0x2c: {  	_ =	swait.ge [sflag:s12], $0x80  }
0x2d: {  	[sflag:s12] =	ssyncset.done $0x0  }
0x2e: {  	[sflag:s12] =	ssyncadd.s32 $0xFFFFFF80  }
0x2f: {  	[tilespmem:s14], [sflag:$0x1] =	stream.indirect.gather [hbm4b:s2+s13], $0x80, s4, s13, $0xb8;
	[tilespmem:$0x17D00] =	vst v63  }
0x30: {  	_ =	swait.ge [sflag:s15], $0x4000  }
.Ltmp0:
0x31: {  	[sflag:s15] =	ssyncset.done $0x0;
	(pc) =	sbr.rel @p0 .LBB2_2-.Ltmp0, $4  }
0x32: {  	[sflag:s15] =	ssyncadd.s32 $0xFFFFC000  }
0x33: {  	[spmem:s3] =	stream.indirect.scatter.add.f32 [tilespmem:s14], [sflag:$0x2], $0x80, s13, s13, $0xb8;
	[tilespmem:$0x17D00] =	vst v63  }
0x34: {  	_ =	swait.ge [sflag:s12], $0x4000  }
0x35: {  	s18 =	smov.u32 s21;
	[sflag:s12] =	ssyncset.done $0x0  }
0x36: {  	s18 =	sadd.s32 s17, s10;
	[sflag:s12] =	ssyncadd.s32 $0xFFFFC000  }
0x37: {  	[tilespmem:s4], [sflag:$0x2] =	stream.linear.gather [hbm4b:s18+s4], $0x80, $0x38;
	[tilespmem:$0x17D00] =	vst v63  }
0x38: {  	_ =	swait.ge [sflag:s12], $0x80  }
0x39: {  	[sflag:s12] =	ssyncset.done $0x0  }
0x3a: {  	s31 =	sadd.s32 s17, s9;
	[sflag:s12] =	ssyncadd.s32 $0xFFFFFF80  }
0x3b: {  	[tilespmem:s13], [sflag:$0x2] =	stream.linear.gather [hbm4b:s31+s4], $0x80, $0x38;
	[tilespmem:$0x17D00] =	vst v63  }
0x3c: {  	_ =	swait.ge [sflag:s12], $0x80  }
0x3d: {  	[sflag:s12] =	ssyncset.done $0x0  }
0x3e: {  	[sflag:s12] =	ssyncadd.s32 $0xFFFFFF80  }
0x3f: {  	[tilespmem:s14], [sflag:$0x1] =	stream.indirect.gather [hbm4b:s2+s13], $0x80, s4, s13, $0xb8;
	[tilespmem:$0x17D00] =	vst v63  }
0x40: {  	_ =	swait.ge [sflag:s15], $0x4000  }
0x41: {  	[sflag:s15] =	ssyncset.done $0x0  }
0x42: {  	[sflag:s15] =	ssyncadd.s32 $0xFFFFC000  }
0x43: {  	[spmem:s3] =	stream.indirect.scatter.add.f32 [tilespmem:s14], [sflag:$0x2], $0x80, s13, s13, $0xb8;
	[tilespmem:$0x17D00] =	vst v63  }
0x44: {  	_ =	swait.ge [sflag:s12], $0x4000  }
0x45: {  	s16 =	sadd.s32 $0x1, s16;
	[sflag:s12] =	ssyncset.done $0x0  }
0x46: {  	p0 =	sne.s32 s16, s8;
	[sflag:s12] =	ssyncadd.s32 $0xFFFFC000  }
.Ltmp1:
0x47: {  	[bflag:$0x0] =	sbarrier.arrive $0xFFFF;
	(pc) =	sbr.rel @p0 .LBB2_1-.Ltmp1, $4  }
0x48: {  	[hbm:s7], [sflag:s6] =	dma.local [spmem:s11], $0x2780  }
0x49: {  	_ =	swait.ge [sflag:s12], $0x2780  }
0x4a: {  	[sflag:s12] =	ssyncset.done $0x0  }
0x4b: {  	[sflag:s12] =	ssyncadd.s32 $0xFFFFD880  }
0x4c: {  	_ =	sfence.sel $0x180000  }
0x4d: {  	[bflag:$0x0] =	sbarrier.arrive $0xFFFF  }
0x4e: {  	p0 =	sne.s32 s1, $0x0;
	_ =	strace $0x9000004A  }
0x4f: {  	s0 =	sadd.s32 @!p0 $0x100000, s0;
	[bflag:$0x2] =	sbarrier.arrive $0xFFFF  }
0x50: {  	[sflag:s0] =	ssyncadd.tile.s32 @!p0 $0x1;
	_ =	shalt  }
.Lfunc_end2:
_tile_overlayer_lowered:
.L_overlay_start_2:
0x51: {  	(tag) =	ssettag $0x2  }
0x52: {  	s0 =	rddreg [dreg:$0x0];
	s2 =	stileid.u32  }
0x53: {  	s1 =	rddreg [dreg:$0x1];
	p0 =	sne.s32 s2, $0x0  }
0x54: {  	s3 =	rddreg [dreg:$0x2];
	[bflag:$0x3] =	sbarrier.arrive $0xFFFF;
	s2 =	simm.s32 @!p0 $0x1C02  }
0x55: {  	[timem:s3], [sflag:s2] =	dma.local @!p0 [hbm:s0], s1  }
0x56: {  	s0 =	simm.s32 @!p0 $0x2  }
0x57: {  	_ =	swait.ge @!p0 [sflag:s0], s1  }
0x58: {  	s1 =	ssub.s32 @!p0 $0x0, s1;
	[sflag:s0] =	ssyncset.done @!p0 $0x0  }
0x59: {  	[sflag:s0] =	ssyncadd.s32 @!p0 s1  }
0x5a: {  	[bflag:$0x3] =	sbarrier.arrive $0xFFFF  }
0x5b: {  	_ =	shalt  }

// kernel: kernel.17.cloned.1.call-start
scs
__scs_entry_jumppad:
0x0: {  	(pc) =	sbr.rel $0x88, $3  }
0x1: {  	(tag) =	ssettag $0x0;
	lr =	simm.s32 $0x1  }
0x2: {  	[smem:$0x3F89] =	sst lr;
	_ =	strace $0xD0000000  }
0x3: {  	_ = 	snop  }
0x4: {  	_ = 	snop  }
0x5: {  	_ = 	snop  }
0x6: {  	_ = 	snop  }
0x7: {  	_ = 	snop  }
__scs_overlays_trampoline_lowered:
0x8: {  	[smem:$0x3F98] =	sst s0  }
0x9: {  	[smem:$0x3F99] =	sst s1  }
0xa: {  	[smem:$0x3F9A] =	sst s2  }
0xb: {  	[smem:$0x3F9B] =	sst s3  }
0xc: {  	[smem:$0x3F9C] =	sst s4  }
0xd: {  	[smem:$0x3F9D] =	sst s5  }
0xe: {  	[smem:$0x3F9E] =	sst s6  }
0xf: {  	[smem:$0x3F9F] =	sst s7  }
0x10: {  	[smem:$0x3FA0] =	sst s8  }
0x11: {  	[smem:$0x3FA1] =	sst s9;
	s0 =	simm.s32 @!p0 $0x0  }
0x12: {  	s1 =	sld [smem:$0x3F87];
	s0 =	simm.s32 @p0 $0x1  }
0x13: {  	[smem:$0x3FA2] =	sst s0;
	s0 =	simm.s32 @!p1 $0x0  }
0x14: {  	s2 =	sld [smem:$0x3F86];
	s0 =	simm.s32 @p1 $0x1  }
0x15: {  	[smem:$0x3FA3] =	sst s0;
	s0 =	simm.s32 @!p2 $0x0  }
0x16: {  	s3 =	sld [smem:$0x3FDB];
	s0 =	simm.s32 @p2 $0x1  }
0x17: {  	s4 =	simm.s32 $0x1BF5;
	[smem:$0x3FA5] =	sst s0  }
0x18: {  	s0 =	sld [smem:$0x3F88];
	_ =	swait.ge [sflag:s4], $0x0  }
0x19: {  	s7 =	sld [smem:$0x3F89]  }
0x1a: {  	s8 =	sadd.s32 $0xFFFFE003, lr  }
0x1b: {  	s9 =	sadd.s32 $0xFFFFFEF7, lr;
	s5 =	simm.s32 $0xFFFFFFFF;
	p2 =	slt.u32 s8, $0xFFFFF086  }
0x1c: {  	p1 =	slt.u32 s9, $0xF7A;
	s5 =	simm.s32 @!p2 $0x0  }
0x1d: {  	s5 =	simm.s32 @p1 $0x1;
	p0 =	seq.s32 s7, s2  }
0x1e: {  	s7 =	smul.u32 @!p0 $0xF7A, s2;
	p2 =	seq.s32 @!p0 s5, $0x0  }
0x1f: {  	s9 =	smul.u32 $0xF7A, s1;
	s8 =	simm.s32 @!p0 $0x1BF5;
	p2 =	por !p2, p0  }
0x20: {  	[sflag:s8] =	ssyncset.s32 @!p0 $0xFFFFF086;
	s6 =	sadd.s32 @!p0 s3, s7;
	s7 =	simm.s32 @!p0 $0x108  }
0x21: {  	s3 =	sadd.s32 s3, s9;
	s6 =	sadd.s32 @!p0 $0x88, s6;
	s7 =	simm.s32 @p2 $0x1082  }
0x22: {  	[simem:s7], [sflag:s8] =	dma.local @!p0 [hbm:s6], $0xF7A  }
0x23: {  	s9 =	sor.u32 $0xD0000000, s2;
	s6 =	simm.s32 $0x108;
	_ =	swait.ge @!p0 [sflag:s8], $0x0  }
0x24: {  	s3 =	sadd.s32 $0x88, s3;
	s6 =	simm.s32 @!p1 $0x1082;
	[sflag:s4] =	ssyncset.s32 $0xFFFFF086  }
0x25: {  	[simem:s6], [sflag:s4] =	dma.local [hbm:s3], $0xF7A  }
0x26: {  	[smem:$0x3F89] =	sst s1;
	(tag) =	ssettag s2;
	_ =	strace s9  }
0x27: {  	s1 =	sld [smem:$0x3F99]  }
0x28: {  	s2 =	sld [smem:$0x3F9A]  }
0x29: {  	s4 =	sld [smem:$0x3F9C]  }
0x2a: {  	p0 =	seq.s32 s5, $0x0;
	s5 =	sld [smem:$0x3F9D]  }
0x2b: {  	s6 =	sld [smem:$0x3F9E]  }
0x2c: {  	s7 =	sld [smem:$0x3F9F]  }
0x2d: {  	s3 =	simm.s32 $0x108;
	s8 =	sld [smem:$0x3FA0]  }
0x2e: {  	s3 =	simm.s32 @!p0 $0x1082;
	s9 =	sld [smem:$0x3FA1]  }
0x2f: {  	lr =	sadd.s32 s0, s3;
	s0 =	sld [smem:$0x3F98]  }
0x30: {  	s3 =	sld [smem:$0x3F9B]  }
0x31: {  	[smem:$0x3FA4] =	sst s10  }
0x32: {  	s10 =	sld [smem:$0x3FA2];
	_ =	sdelay $0x3  }
0x33: {  	p0 =	seq.s32 s10, $0x1;
	s10 =	sld [smem:$0x3FA4];
	_ =	sdelay $0x3  }
0x34: {  	[smem:$0x3FA4] =	sst s10  }
0x35: {  	s10 =	sld [smem:$0x3FA3];
	_ =	sdelay $0x3  }
0x36: {  	p1 =	seq.s32 s10, $0x1;
	s10 =	sld [smem:$0x3FA4];
	_ =	sdelay $0x3  }
0x37: {  	[smem:$0x3FA4] =	sst s10  }
0x38: {  	s10 =	sld [smem:$0x3FA5]  }
0x39: {  	_ = 	snop;
	(pc) =	sbr.ind lr, $3  }
0x3a: {  	_ = 	snop  }
0x3b: {  	_ = 	snop  }
0x3c: {  	p2 =	seq.s32 s10, $0x1;
	s10 =	sld [smem:$0x3FA4]  }
0x3d: {  	_ =	shalt  }
0x3e: {  	_ =	shalt  }
0x3f: {  	_ =	shalt  }
0x40: {  	_ =	shalt  }
0x41: {  	_ =	shalt  }
0x42: {  	_ =	shalt  }
0x43: {  	_ =	shalt  }
0x44: {  	_ =	shalt  }
0x45: {  	_ =	shalt  }
0x46: {  	_ =	shalt  }
0x47: {  	_ =	shalt  }
0x48: {  	_ =	shalt  }
0x49: {  	_ =	shalt  }
0x4a: {  	_ =	shalt  }
0x4b: {  	_ =	shalt  }
0x4c: {  	_ =	shalt  }
0x4d: {  	_ =	shalt  }
0x4e: {  	_ =	shalt  }
0x4f: {  	_ =	shalt  }
0x50: {  	_ =	shalt  }
0x51: {  	_ =	shalt  }
0x52: {  	_ =	shalt  }
0x53: {  	_ =	shalt  }
0x54: {  	_ =	shalt  }
0x55: {  	_ =	shalt  }
0x56: {  	_ =	shalt  }
0x57: {  	_ =	shalt  }
0x58: {  	_ =	shalt  }
0x59: {  	_ =	shalt  }
0x5a: {  	_ =	shalt  }
0x5b: {  	_ =	shalt  }
0x5c: {  	_ =	shalt  }
0x5d: {  	_ =	shalt  }
0x5e: {  	_ =	shalt  }
0x5f: {  	_ =	shalt  }
0x60: {  	_ =	shalt  }
0x61: {  	_ =	shalt  }
0x62: {  	_ =	shalt  }
0x63: {  	_ =	shalt  }
0x64: {  	_ =	shalt  }
0x65: {  	_ =	shalt  }
0x66: {  	_ =	shalt  }
0x67: {  	_ =	shalt  }
0x68: {  	_ =	shalt  }
0x69: {  	_ =	shalt  }
0x6a: {  	_ =	shalt  }
0x6b: {  	_ =	shalt  }
0x6c: {  	_ =	shalt  }
0x6d: {  	_ =	shalt  }
0x6e: {  	_ =	shalt  }
0x6f: {  	_ =	shalt  }
0x70: {  	_ =	shalt  }
0x71: {  	_ =	shalt  }
0x72: {  	_ =	shalt  }
0x73: {  	_ =	shalt  }
0x74: {  	_ =	shalt  }
0x75: {  	_ =	shalt  }
0x76: {  	_ =	shalt  }
0x77: {  	_ =	shalt  }
0x78: {  	_ =	shalt  }
0x79: {  	_ =	shalt  }
0x7a: {  	_ =	shalt  }
0x7b: {  	_ =	shalt  }
0x7c: {  	_ =	shalt  }
0x7d: {  	_ =	shalt  }
0x7e: {  	_ =	shalt  }
0x7f: {  	_ =	shalt  }
0x80: {  	_ =	shalt  }
0x81: {  	_ =	shalt  }
0x82: {  	_ =	shalt  }
0x83: {  	_ =	shalt  }
0x84: {  	_ =	shalt  }
0x85: {  	_ =	shalt  }
0x86: {  	_ =	shalt  }
0x87: {  	_ =	shalt  }
.Lfunc_end0:
.L_simem_size_0:
called_computation.2_lowered:
.L_overlay_start_0:
0x88: {  	s2 =	sld [smem:$0x3FD9]  }
0x89: {  	s3 =	sld [smem:$0x3FFE];
	_ =	sdelay $0x1  }
0x8a: {  	s1 =	srdreg.scid  }
0x8b: {  	s0 =	sand.u32 $0x1, s1  }
0x8c: {  	s17 =	sshll.u32 s0, $0xA;
	s2 =	sadd.s32 s3, s2  }
0x8d: {  	s2 =	sadd.s32 s2, s17  }
0x8e: {  	[smem:$0x3FB0] =	sst s2  }
0x8f: {  	_ = 	snop  }
0x90: {  	s2 =	sld [smem:$0x3FD0];
	(tm) =	ssettm $0x1  }
0x91: {  	s18 =	sld [smem:$0x3FFB];
	_ =	sdelay $0x3  }
0x92: {  	_ =	strace s18  }
0x93: {  	s3 =	sld [smem:$0x3FFC];
	_ =	sdelay $0x3  }
0x94: {  	_ =	strace s3  }
0x95: {  	s3 =	sld [smem:$0x3FFD];
	_ =	sdelay $0x3  }
0x96: {  	_ =	strace s3  }
0x97: {  	_ =	strace $0x8FFFFFFF  }
0x98: {  	s19 =	sld [smem:$0x3FDB];
	_ =	sdelay $0x1  }
0x99: {  	s4 =	simm.s32 $_scs_section_size  }
0x9a: {  	s5 =	simm.s32 $_size__tile_overlayer_lowered;
	s6 =	simm.s32 $_tile_overlayer_lowered  }
0x9b: {  	s22 =	simm.s32 $0x1BFF;
	s21 =	sshll.u32 s6, $0x1;
	s3 =	sadd.s32 s4, s19  }
0x9c: {  	s7 =	simm.s32 $0x0;
	s20 =	sshll.u32 s5, $0x1;
	s5 =	sadd.s32 s21, s3  }
0x9d: {  	[timem:s7], [sflag:s22] =	dma.local [hbm:s5], s20  }
0x9e: {  	_ =	swait.ge [sflag:s22], s20  }
0x9f: {  	s4 =	ssub.s32 $0x0, s20;
	[sflag:s22] =	ssyncset.done $0x0  }
0xa0: {  	[sflag:s22] =	ssyncadd.s32 s4;
	_ =	sdelay $0x1  }
0xa1: {  	s23 =	simm.s32 $0x1B8B  }
0xa2: {  	_ =	swait.ge [sflag:s23], $0x1  }
0xa3: {  	[sflag:s23] =	ssyncset.done $0x0  }
0xa4: {  	s25 =	simm.s32 $0x1B8E;
	s24 =	sld [smem:$0x3FFE];
	[sflag:s23] =	ssyncadd.s32 $0xFFFFFFFF  }
0xa5: {  	s26 =	simm.s32 $execute0_lowered;
	[smem:$0x3FD2] =	sst s25  }
0xa6: {  	s5 =	sshll.u32 s26, $0x1;
	_ =	strace $0x8000004C;
	[dreg:$0x1] =	wrdreg $0xFFFFFFFF  }
0xa7: {  	s28 =	simm.s32 $_size_execute0_lowered;
	s3 =	sadd.s32 s3, s5;
	[dreg:$0x0] =	wrdreg $0x0  }
0xa8: {  	s5 =	sshll.u32 s28, $0x1;
	[dreg:$0x2] =	wrdreg s3  }
0xa9: {  	[dreg:$0x3] =	wrdreg s5  }
0xaa: {  	[dreg:$0x4] =	wrdreg $0xC0  }
0xab: {  	_ =	task [dreg:s7], $0x5FFFF  }
0xac: {  	[dreg:$0x1] =	wrdreg $0xFFFFFFFF  }
0xad: {  	[dreg:$0x0] =	wrdreg $0x60  }
0xae: {  	[dreg:$0x2] =	wrdreg s2  }
0xaf: {  	[dreg:$0x3] =	wrdreg s24  }
0xb0: {  	[dreg:$0x4] =	wrdreg $0x41000  }
0xb1: {  	[dreg:$0x5] =	wrdreg $0x9  }
0xb2: {  	_ =	task.clear_ibuf [dreg:s7], $0x6FFFF;
	_ =	strace $0x9000004C  }
0xb3: {  	s29 =	simm.s32 $0x9;
	_ =	strace $0x8000004E  }
0xb4: {  	_ =	swait.ge [sflag:s29], $0x1  }
0xb5: {  	[sflag:s29] =	ssyncadd.s32 $0xFFFFFFFF  }
0xb6: {  	_ =	strace $0x9000004E  }
0xb7: {  	_ =	sfence  }
0xb8: {  	s30 =	sld [smem:$0x0];
	_ =	sdelay $0x2  }
0xb9: {  	s31 =	sshll.u32 s1, $0xD;
	s1 =	sshrl.u32 s1, $0x2  }
0xba: {  	s3 =	sand.u32 $0x4000, s31;
	s1 =	sadd.s32 s1, s30  }
0xbb: {  	s0 =	sor.u32 s3, s0;
	s1 =	sshll.u32 s1, $0x11  }
0xbc: {  	s0 =	sor.u32 s1, s0  }
0xbd: {  	s0 =	sadd.s32 $0x8F2B, s0  }
0xbe: {  	[sflag:s0] =	ssyncadd.remote.s32 $0x1  }
0xbf: {  	_ =	sfence.sel $0xFFFF  }
0xc0: {  	[dreg:$0x0] =	wrdreg $0xFFFFFFFF;
	(pc) =	sbr.abs _section_cstart, $3  }
0xc1: {  	[dreg:$0x1] =	wrdreg $0xFFFFFFFF  }
0xc2: {  	_ =	task.clear_ibuf [dreg:s7], $0x2FFFF;
	_ =	strace $0x9FFFFFFF  }
0xc3: {  	(tm) =	ssettm $0x7FFFFFFF  }
tec
execute0_lowered:
.L_overlay_start_1:
0x0: {  	(tag) =	ssettag $0x1  }
0x1: {  	s2 =	rddreg [dreg:$0x0]  }
0x2: {  	s5 =	rddreg [dreg:$0x1]  }
0x3: {  	s3 =	rddreg [dreg:$0x2]  }
0x4: {  	s0 =	rddreg [dreg:$0x3]  }
0x5: {  	s1 =	stileid.u32;
	s7 =	srdreg.scid;
	s4 =	simm.s32 $0x0  }
0x6: {  	s13 =	simm.s32 $0x80;
	s14 =	simm.s32 $0x100;
	s6 =	smul.u32 $0xA00, s1  }
0x7: {  	s15 =	simm.s32 $0x1;
	s16 =	simm.s32 $0x0;
	s8 =	smul.u32 $0x13C00, s1  }
0x8: {  	s7 =	sand.u32 $0x1, s7;
	[smem:$0x7FF] =	sst s4;
	s11 =	smul.u32 $0x4F000, s1  }
0x9: {  	s31 =	sshll.u32 s1, $0x6;
	s9 =	smul.u32 $0x13C000, s7;
	_ =	strace $0x8000004D  }
0xa: {  	s26 =	ssub.s32 $0x2, s7;
	s30 =	smul.u32 $0x500, s7;
	s10 =	sadd.s32 s6, s5  }
0xb: {  	s25 =	sshrl.u32 s8, $0x3;
	s28 =	sshrl.u32 s26, $0x1;
	s29 =	sshrl.u32 s11, $0x2  }
0xc: {  	s8 =	sadd.s32 s8, s9;
	s6 =	sadd.s32 s25, s5;
	s9 =	ssub.s32 s26, s28  }
0xd: {  	s12 =	sadd.s32 s29, s3;
	s10 =	sadd.s32 s30, s10;
	s8 =	sshrl.u32 s8, $0x3  }
0xe: {  	s11 =	sshrl.u32 s12, $0x3;
	s12 =	simm.s32 $0x2;
	s8 =	sadd.s32 s8, s5  }
0xf: {  	s5 =	sadd.s32 $0x67C00, s6;
	s6 =	sor.u32 $0x1C02, s31;
	s7 =	sadd.s32 $0x8F400, s8  }
0x10: {  	s8 =	smax.u32 s9, $0x1;
	s9 =	sadd.s32 $0xFA00, s10;
	s10 =	sadd.s32 $0x5A00, s10  }
.LBB2_1:
0x11: {  	[spmem:s11], [sflag:s6] =	dma.local [hbm:s5], $0x2780  }
0x12: {  	_ =	swait.ge [sflag:s12], $0x2780  }
0x13: {  	[sflag:s12] =	ssyncset.done $0x0  }
0x14: {  	[sflag:s12] =	ssyncadd.s32 $0xFFFFD880  }
0x15: {  	s17 =	sadd.s32 $0x0, s10;
	[bflag:$0x0] =	sbarrier.arrive $0xFFFF  }
0x16: {  	[tilespmem:s4], [sflag:$0x2] =	stream.linear.gather [hbm4b:s17+s4], $0x80, $0x38;
	[tilespmem:$0x17D00] =	vst v63  }
0x17: {  	_ =	swait.ge [sflag:s12], $0x80  }
0x18: {  	[sflag:s12] =	ssyncset.done $0x0  }
0x19: {  	s31 =	sadd.s32 $0x0, s9;
	[sflag:s12] =	ssyncadd.s32 $0xFFFFFF80  }
0x1a: {  	[tilespmem:s13], [sflag:$0x2] =	stream.linear.gather [hbm4b:s31+s4], $0x80, $0x38;
	[tilespmem:$0x17D00] =	vst v63  }
0x1b: {  	_ =	swait.ge [sflag:s12], $0x80  }
0x1c: {  	[sflag:s12] =	ssyncset.done $0x0  }
0x1d: {  	[sflag:s12] =	ssyncadd.s32 $0xFFFFFF80  }
0x1e: {  	[tilespmem:s14], [sflag:$0x1] =	stream.indirect.gather [hbm4b:s2+s13], $0x80, s4, s13, $0xb8;
	[tilespmem:$0x17D00] =	vst v63  }
0x1f: {  	_ =	swait.ge [sflag:s15], $0x4000  }
0x20: {  	[sflag:s15] =	ssyncset.done $0x0  }
0x21: {  	[sflag:s15] =	ssyncadd.s32 $0xFFFFC000  }
0x22: {  	[spmem:s3] =	stream.indirect.scatter.add.f32 [tilespmem:s14], [sflag:$0x2], $0x80, s13, s13, $0xb8;
	[tilespmem:$0x17D00] =	vst v63  }
0x23: {  	_ =	swait.ge [sflag:s12], $0x4000  }
0x24: {  	s18 =	simm.s32 $0x20;
	s17 =	simm.s32 $0x10;
	[sflag:s12] =	ssyncset.done $0x0  }
.LBB2_2:
0x25: {  	s19 =	sadd.s32 s17, s10  }
0x26: {  	[sflag:s12] =	ssyncadd.s32 $0xFFFFC000;
	s20 =	smov.u32 s18;
	s21 =	sadd.s32 $0x10, s18  }
0x27: {  	[tilespmem:s4], [sflag:$0x2] =	stream.linear.gather [hbm4b:s19+s4], $0x80, $0x38;
	[tilespmem:$0x17D00] =	vst v63  }
0x28: {  	p0 =	sne.s32 s18, $0x4F0;
	_ =	swait.ge [sflag:s12], $0x80  }
0x29: {  	[sflag:s12] =	ssyncset.done $0x0  }
0x2a: {  	s18 =	sadd.s32 s17, s9;
	s17 =	smov.u32 s20;
	[sflag:s12] =	ssyncadd.s32 $0xFFFFFF80  }
0x2b: {  	[tilespmem:s13], [sflag:$0x2] =	stream.linear.gather [hbm4b:s18+s4], $0x80, $0x38;
	[tilespmem:$0x17D00] =	vst v63  }
0x2c: {  	_ =	swait.ge [sflag:s12], $0x80  }
0x2d: {  	[sflag:s12] =	ssyncset.done $0x0  }
0x2e: {  	[sflag:s12] =	ssyncadd.s32 $0xFFFFFF80  }
0x2f: {  	[tilespmem:s14], [sflag:$0x1] =	stream.indirect.gather [hbm4b:s2+s13], $0x80, s4, s13, $0xb8;
	[tilespmem:$0x17D00] =	vst v63  }
0x30: {  	_ =	swait.ge [sflag:s15], $0x4000  }
.Ltmp0:
0x31: {  	[sflag:s15] =	ssyncset.done $0x0;
	(pc) =	sbr.rel @p0 .LBB2_2-.Ltmp0, $4  }
0x32: {  	[sflag:s15] =	ssyncadd.s32 $0xFFFFC000  }
0x33: {  	[spmem:s3] =	stream.indirect.scatter.add.f32 [tilespmem:s14], [sflag:$0x2], $0x80, s13, s13, $0xb8;
	[tilespmem:$0x17D00] =	vst v63  }
0x34: {  	_ =	swait.ge [sflag:s12], $0x4000  }
0x35: {  	s18 =	smov.u32 s21;
	[sflag:s12] =	ssyncset.done $0x0  }
0x36: {  	s18 =	sadd.s32 s17, s10;
	[sflag:s12] =	ssyncadd.s32 $0xFFFFC000  }
0x37: {  	[tilespmem:s4], [sflag:$0x2] =	stream.linear.gather [hbm4b:s18+s4], $0x80, $0x38;
	[tilespmem:$0x17D00] =	vst v63  }
0x38: {  	_ =	swait.ge [sflag:s12], $0x80  }
0x39: {  	[sflag:s12] =	ssyncset.done $0x0  }
0x3a: {  	s31 =	sadd.s32 s17, s9;
	[sflag:s12] =	ssyncadd.s32 $0xFFFFFF80  }
0x3b: {  	[tilespmem:s13], [sflag:$0x2] =	stream.linear.gather [hbm4b:s31+s4], $0x80, $0x38;
	[tilespmem:$0x17D00] =	vst v63  }
0x3c: {  	_ =	swait.ge [sflag:s12], $0x80  }
0x3d: {  	[sflag:s12] =	ssyncset.done $0x0  }
0x3e: {  	[sflag:s12] =	ssyncadd.s32 $0xFFFFFF80  }
0x3f: {  	[tilespmem:s14], [sflag:$0x1] =	stream.indirect.gather [hbm4b:s2+s13], $0x80, s4, s13, $0xb8;
	[tilespmem:$0x17D00] =	vst v63  }
0x40: {  	_ =	swait.ge [sflag:s15], $0x4000  }
0x41: {  	[sflag:s15] =	ssyncset.done $0x0  }
0x42: {  	[sflag:s15] =	ssyncadd.s32 $0xFFFFC000  }
0x43: {  	[spmem:s3] =	stream.indirect.scatter.add.f32 [tilespmem:s14], [sflag:$0x2], $0x80, s13, s13, $0xb8;
	[tilespmem:$0x17D00] =	vst v63  }
0x44: {  	_ =	swait.ge [sflag:s12], $0x4000  }
0x45: {  	s16 =	sadd.s32 $0x1, s16;
	[sflag:s12] =	ssyncset.done $0x0  }
0x46: {  	p0 =	sne.s32 s16, s8;
	[sflag:s12] =	ssyncadd.s32 $0xFFFFC000  }
.Ltmp1:
0x47: {  	[bflag:$0x0] =	sbarrier.arrive $0xFFFF;
	(pc) =	sbr.rel @p0 .LBB2_1-.Ltmp1, $4  }
0x48: {  	[hbm:s7], [sflag:s6] =	dma.local [spmem:s11], $0x2780  }
0x49: {  	_ =	swait.ge [sflag:s12], $0x2780  }
0x4a: {  	[sflag:s12] =	ssyncset.done $0x0  }
0x4b: {  	[sflag:s12] =	ssyncadd.s32 $0xFFFFD880  }
0x4c: {  	_ =	sfence.sel $0x180000  }
0x4d: {  	[bflag:$0x0] =	sbarrier.arrive $0xFFFF  }
0x4e: {  	p0 =	sne.s32 s1, $0x0;
	_ =	strace $0x9000004D  }
0x4f: {  	s0 =	sadd.s32 @!p0 $0x100000, s0;
	[bflag:$0x2] =	sbarrier.arrive $0xFFFF  }
0x50: {  	[sflag:s0] =	ssyncadd.tile.s32 @!p0 $0x1;
	_ =	shalt  }
.Lfunc_end2:
_tile_overlayer_lowered:
.L_overlay_start_2:
0x51: {  	(tag) =	ssettag $0x2  }
0x52: {  	s0 =	rddreg [dreg:$0x0];
	s2 =	stileid.u32  }
0x53: {  	s1 =	rddreg [dreg:$0x1];
	p0 =	sne.s32 s2, $0x0  }
0x54: {  	s3 =	rddreg [dreg:$0x2];
	[bflag:$0x3] =	sbarrier.arrive $0xFFFF;
	s2 =	simm.s32 @!p0 $0x1C02  }
0x55: {  	[timem:s3], [sflag:s2] =	dma.local @!p0 [hbm:s0], s1  }
0x56: {  	s0 =	simm.s32 @!p0 $0x2  }
0x57: {  	_ =	swait.ge @!p0 [sflag:s0], s1  }
0x58: {  	s1 =	ssub.s32 @!p0 $0x0, s1;
	[sflag:s0] =	ssyncset.done @!p0 $0x0  }
0x59: {  	[sflag:s0] =	ssyncadd.s32 @!p0 s1  }
0x5a: {  	[bflag:$0x3] =	sbarrier.arrive $0xFFFF  }
0x5b: {  	_ =	shalt  }

</sc_bundles>
